<compile_context>
chip_gen: v7x
topology: tpu7x:2x2x1
jax: 0.10.2.dev20260603
libtpu: 0.0.44.dev20260713+nightly
codegen_flags: <defaults>
</compile_context>

<pallas_src>
import functools
import math

import jax
import jax.numpy as jnp
from jax import lax
from jax.experimental import pallas as pl
from jax.experimental.pallas import tpu as pltpu
from jax.experimental.pallas import tpu_sc as plsc

ABS_MAX = 1000000.0
SCALE = 0.1
N = 10000
D = 128
E = 320000

NC = 2
NS = 16
NW = NC * NS

CHUNK = 128
CPT0 = 118
CPT1 = 39
TOTAL_CHUNKS = NS * (CPT0 + CPT1)
TOTAL_ALLOC = TOTAL_CHUNKS + 2
ROWS_PAD = 10240
RPT = ROWS_PAD // NS

_mesh = plsc.VectorSubcoreMesh(
    core_axis_name="c", subcore_axis_name="s", num_cores=NC, num_subcores=NS)


@functools.partial(
    pl.kernel,
    out_type=jax.ShapeDtypeStruct((NC, ROWS_PAD, D), jnp.float32),
    mesh=_mesh,
    scratch_types=[
        pltpu.VMEM((2, 2, CHUNK), jnp.int32),
        pltpu.VMEM((2, CHUNK, D), jnp.float32),
        pltpu.VMEM_SHARED((ROWS_PAD, D), jnp.float32),
        pltpu.SemaphoreType.DMA,
        pltpu.SemaphoreType.DMA,
    ],
)
def _sc_scatter(feat_hbm, sd_hbm, out_hbm, idx_v, rows_v, acc_sh, sem0, sem1):
    c = lax.axis_index("c")
    s = lax.axis_index("s")

    with jax.named_scope("zero_acc"):
        zeros16 = jnp.zeros((16,), jnp.float32)

        def zfill_body(r, _):
            for j in range(D // 16):
                rows_v[0, r, pl.ds(j * 16, 16)] = zeros16
            return 0
        lax.fori_loop(0, CHUNK, zfill_body, 0)

        def zero_body(k, _):
            pltpu.sync_copy(rows_v.at[0],
                            acc_sh.at[pl.ds(s * RPT + k * CHUNK, CHUNK)])
            return 0
        lax.fori_loop(0, RPT // CHUNK, zero_body, 0)

        plsc.subcore_barrier()

    with jax.named_scope("edge_loop"):
        sems = (sem0, sem1)

        @pl.when(c == 0)
        def _core0_ring():
            base = s * CPT0
            for b in range(2):
                pltpu.sync_copy(sd_hbm.at[base + b], idx_v.at[b])
                pltpu.async_copy(feat_hbm.at[idx_v.at[b, 0]], rows_v.at[b],
                                 sems[b])

            def chunk_body(k, _):
                for b in range(2):
                    i = 2 * k + b
                    pltpu.make_async_copy(
                        feat_hbm.at[pl.ds(0, CHUNK)], rows_v.at[b],
                        sems[b]).wait()
                    pltpu.sync_copy(rows_v.at[b], acc_sh.at[idx_v.at[b, 1]],
                                    add=True)
                    pltpu.sync_copy(sd_hbm.at[base + i + 2], idx_v.at[b])
                    pltpu.async_copy(feat_hbm.at[idx_v.at[b, 0]],
                                     rows_v.at[b], sems[b])
                return 0
            lax.fori_loop(0, CPT0 // 2, chunk_body, 0)

            for b in range(2):
                pltpu.make_async_copy(
                    feat_hbm.at[pl.ds(0, CHUNK)], rows_v.at[b],
                    sems[b]).wait()

        @pl.when(c != 0)
        def _core1_serial():
            base = NS * CPT0 + s * CPT1

            def chunk_body(i, _):
                pltpu.sync_copy(sd_hbm.at[base + i], idx_v.at[0])
                pltpu.async_copy(feat_hbm.at[idx_v.at[0, 0]], rows_v.at[0],
                                 sem0).wait()
                pltpu.sync_copy(rows_v.at[0], acc_sh.at[idx_v.at[0, 1]],
                                add=True)
                return 0
            lax.fori_loop(0, CPT1, chunk_body, 0)

        plsc.subcore_barrier()

    with jax.named_scope("copy_out"):
        pltpu.sync_copy(acc_sh.at[pl.ds(s * RPT, RPT)],
                        out_hbm.at[c, pl.ds(s * RPT, RPT)])


def _tc_body(h_ref, f_ref, r_ref, o_ref):
    hsum = (h_ref[0] + h_ref[1]) * jnp.float32(SCALE)
    h = jnp.clip(hsum, -ABS_MAX, ABS_MAX)
    fe = jnp.clip(f_ref[...] * jnp.float32(SCALE), -ABS_MAX, ABS_MAX)
    feats = jnp.clip(h + fe, -ABS_MAX, ABS_MAX)
    o_ref[...] = lax.dot(feats, r_ref[...],
                         precision=lax.Precision.HIGHEST,
                         preferred_element_type=jnp.float32)


_BR = 1000

_tc_project = pl.pallas_call(
    _tc_body,
    grid=(N // _BR,),
    in_specs=[
        pl.BlockSpec((NC, _BR, D), lambda i: (0, i, 0)),
        pl.BlockSpec((_BR, D), lambda i: (i, 0)),
        pl.BlockSpec((D, D), lambda i: (0, 0)),
    ],
    out_specs=pl.BlockSpec((_BR, D), lambda i: (i, 0)),
    out_shape=jax.ShapeDtypeStruct((N, D), jnp.float32),
)


def kernel(features, edge_index, R):
    src = edge_index[0].astype(jnp.int32)
    dst = edge_index[1].astype(jnp.int32)
    live_pad = TOTAL_ALLOC * CHUNK - E
    src3 = jnp.concatenate([src, jnp.zeros((live_pad,), jnp.int32)])
    dst3 = jnp.concatenate([dst, jnp.full((live_pad,), N, jnp.int32)])
    sd = jnp.stack([src3.reshape(TOTAL_ALLOC, CHUNK),
                    dst3.reshape(TOTAL_ALLOC, CHUNK)], axis=1)
    h2 = _sc_scatter(features, sd)
    r_scaled = R * jnp.float32(1.0 / (math.sqrt(D) * math.sqrt(D)))
    return _tc_project(h2, features, r_scaled)

# --- scband reference (transcript-rebuilt; emitter-appended) ---
"""Pipeline reference for scband-wlskernel-layer-49065706389958 (READ-ONLY COPY).

The authoritative reference and input builder live on the scoring server;
editing this copy changes nothing except your own understanding.
"""

import jax, jax.numpy as jnp
import numpy as np
import math

ABS_MAX = 1000000.0
IN_DIM = 128
OUT_DIM = 128
KERNEL_SCALE = 0.1
N_NODES = 10000
N_EDGES = 320000


def setup_inputs(seed: int = 0) -> dict:
    key = jax.random.key(seed)
    k1, k2, k3 = jax.random.split(key, 3)
    features = jax.random.normal(k1, (N_NODES, IN_DIM), dtype=jnp.float32)
    edge_index = jax.random.randint(k2, (2, N_EDGES), 0, N_NODES, dtype=jnp.int64)
    # RandomProjection matrix (gaussian, binary=False): expansion_dim == in_dim for linear kernel
    R = jax.random.normal(k3, (IN_DIM, OUT_DIM), dtype=jnp.float32)
    return {"features": features, "edge_index": edge_index, "R": R}


def reference(features, edge_index, R):
    # Linear kernel expansion: scale * x, then clamp
    fe = jnp.clip(features * KERNEL_SCALE, -ABS_MAX, ABS_MAX)
    # copy_src + sum: scatter-add source node features to destination nodes
    src = edge_index[0]
    dst = edge_index[1]
    msgs = fe[src]
    h = jnp.zeros_like(fe).at[dst].add(msgs)
    h = jnp.clip(h, -ABS_MAX, ABS_MAX)
    # cat_scale == 0 -> residual add of expanded features
    feats = h + fe
    feats = jnp.clip(feats, -ABS_MAX, ABS_MAX)
    # Random projection reduction, then divide by sqrt(in_dim)
    out = (feats @ R) / math.sqrt(OUT_DIM)
    out = out / math.sqrt(IN_DIM)
    return out

if __name__ == "__main__":
    import jax
    _d = setup_inputs()
    print(jax.jit(kernel)(*tuple(_d.values())))

</pallas_src>

<mosaic_0001>
#map = affine_map<(d0, d1) -> (0, 0)>
#map1 = affine_map<(d0, d1) -> (0, 0, 0)>
module attributes {stable_mosaic.version = 14 : i64} {
  func.func @_sc_scatter(%arg0: i32, %arg1: i32, %arg2: memref<10000x128xf32, #tpu.memory_space<hbm>>, %arg3: memref<2514x2x128xi32, #tpu.memory_space<hbm>>, %arg4: memref<2x10240x128xf32, #tpu.memory_space<hbm>>, %arg5: memref<2x2x128xi32, #tpu.memory_space<vmem>>, %arg6: memref<2x128x128xf32, #tpu.memory_space<vmem>>, %arg7: memref<10240x128xf32, #tpu.memory_space<vmem_shared>>, %arg8: memref<!tpu.dma_semaphore, #tpu.memory_space<semaphore_mem>>, %arg9: memref<!tpu.dma_semaphore, #tpu.memory_space<semaphore_mem>>) attributes {dimension_semantics = [#tpu.dimension_semantics<core_parallel>, #tpu.dimension_semantics<subcore_parallel>], iteration_bounds = array<i64: 2, 16>, scalar_prefetch = 0 : i64, scratch_operands = 5 : i64, tpu.core_type = #tpu.core_type<sc_vector_subcore>, window_params = [{transform_indices = #map}, {transform_indices = #map1}, {transform_indices = #map1}]} {
    %broadcast_in_dim3A = arith.constant 0.000000e+00 : f32
    "tpu.trace_start"() <{level = 10 : i32, message = "zero_acc"}> : () -> ()
    %broadcast_in_dim3A_0 = vector.broadcast %broadcast_in_dim3A : f32 to vector<16xf32>
    %scan3A = arith.constant 0 : i32
    %scan3A_1 = arith.constant 0 : i32
    %scan3A_2 = arith.constant 128 : i32
    %scan3A_3 = arith.addi %scan3A_1, %scan3A_2 : i32
    %scan3A_4 = arith.constant 1 : i32
    %scan3A_5 = scf.for %scan3A_24 = %scan3A_1 to %scan3A_3 step %scan3A_4 iter_args(%scan3A_25 = %scan3A) -> (i32)  : i32 {
      %swap3A = arith.constant 0 : i32
      %swap3A_26 = arith.index_cast %swap3A : i32 to index
      %swap3A_27 = arith.index_cast %scan3A_24 : i32 to index
      %swap3A_28 = arith.constant 0 : index
      %swap3A_29 = tpu.vector_load %arg6[%swap3A_26, %swap3A_27, %swap3A_28] {strides = array<i32>} : memref<2x128x128xf32, #tpu.memory_space<vmem>>, vector<1x1x16xf32>,
      %swap3A_30 = vector.shape_cast %swap3A_29 : vector<1x1x16xf32> to vector<16xf32>
      %swap3A_31 = vector.shape_cast %broadcast_in_dim3A_0 : vector<16xf32> to vector<1x1x16xf32>
      tpu.vector_store %arg6[%swap3A_26, %swap3A_27, %swap3A_28], %swap3A_31 {strides = array<i32>} : memref<2x128x128xf32, #tpu.memory_space<vmem>>, vector<1x1x16xf32>,
      %swap3A_32 = arith.constant 0 : i32
      %swap3A_33 = arith.index_cast %swap3A_32 : i32 to index
      %swap3A_34 = arith.index_cast %scan3A_24 : i32 to index
      %swap3A_35 = arith.constant 16 : index
      %swap3A_36 = tpu.vector_load %arg6[%swap3A_33, %swap3A_34, %swap3A_35] {strides = array<i32>} : memref<2x128x128xf32, #tpu.memory_space<vmem>>, vector<1x1x16xf32>,
      %swap3A_37 = vector.shape_cast %swap3A_36 : vector<1x1x16xf32> to vector<16xf32>
      %swap3A_38 = vector.shape_cast %broadcast_in_dim3A_0 : vector<16xf32> to vector<1x1x16xf32>
      tpu.vector_store %arg6[%swap3A_33, %swap3A_34, %swap3A_35], %swap3A_38 {strides = array<i32>} : memref<2x128x128xf32, #tpu.memory_space<vmem>>, vector<1x1x16xf32>,
      %swap3A_39 = arith.constant 0 : i32
      %swap3A_40 = arith.index_cast %swap3A_39 : i32 to index
      %swap3A_41 = arith.index_cast %scan3A_24 : i32 to index
      %swap3A_42 = arith.constant 32 : index
      %swap3A_43 = tpu.vector_load %arg6[%swap3A_40, %swap3A_41, %swap3A_42] {strides = array<i32>} : memref<2x128x128xf32, #tpu.memory_space<vmem>>, vector<1x1x16xf32>,
      %swap3A_44 = vector.shape_cast %swap3A_43 : vector<1x1x16xf32> to vector<16xf32>
      %swap3A_45 = vector.shape_cast %broadcast_in_dim3A_0 : vector<16xf32> to vector<1x1x16xf32>
      tpu.vector_store %arg6[%swap3A_40, %swap3A_41, %swap3A_42], %swap3A_45 {strides = array<i32>} : memref<2x128x128xf32, #tpu.memory_space<vmem>>, vector<1x1x16xf32>,
      %swap3A_46 = arith.constant 0 : i32
      %swap3A_47 = arith.index_cast %swap3A_46 : i32 to index
      %swap3A_48 = arith.index_cast %scan3A_24 : i32 to index
      %swap3A_49 = arith.constant 48 : index
      %swap3A_50 = tpu.vector_load %arg6[%swap3A_47, %swap3A_48, %swap3A_49] {strides = array<i32>} : memref<2x128x128xf32, #tpu.memory_space<vmem>>, vector<1x1x16xf32>,
      %swap3A_51 = vector.shape_cast %swap3A_50 : vector<1x1x16xf32> to vector<16xf32>
      %swap3A_52 = vector.shape_cast %broadcast_in_dim3A_0 : vector<16xf32> to vector<1x1x16xf32>
      tpu.vector_store %arg6[%swap3A_47, %swap3A_48, %swap3A_49], %swap3A_52 {strides = array<i32>} : memref<2x128x128xf32, #tpu.memory_space<vmem>>, vector<1x1x16xf32>,
      %swap3A_53 = arith.constant 0 : i32
      %swap3A_54 = arith.index_cast %swap3A_53 : i32 to index
      %swap3A_55 = arith.index_cast %scan3A_24 : i32 to index
      %swap3A_56 = arith.constant 64 : index
      %swap3A_57 = tpu.vector_load %arg6[%swap3A_54, %swap3A_55, %swap3A_56] {strides = array<i32>} : memref<2x128x128xf32, #tpu.memory_space<vmem>>, vector<1x1x16xf32>,
      %swap3A_58 = vector.shape_cast %swap3A_57 : vector<1x1x16xf32> to vector<16xf32>
      %swap3A_59 = vector.shape_cast %broadcast_in_dim3A_0 : vector<16xf32> to vector<1x1x16xf32>
      tpu.vector_store %arg6[%swap3A_54, %swap3A_55, %swap3A_56], %swap3A_59 {strides = array<i32>} : memref<2x128x128xf32, #tpu.memory_space<vmem>>, vector<1x1x16xf32>,
      %swap3A_60 = arith.constant 0 : i32
      %swap3A_61 = arith.index_cast %swap3A_60 : i32 to index
      %swap3A_62 = arith.index_cast %scan3A_24 : i32 to index
      %swap3A_63 = arith.constant 80 : index
      %swap3A_64 = tpu.vector_load %arg6[%swap3A_61, %swap3A_62, %swap3A_63] {strides = array<i32>} : memref<2x128x128xf32, #tpu.memory_space<vmem>>, vector<1x1x16xf32>,
      %swap3A_65 = vector.shape_cast %swap3A_64 : vector<1x1x16xf32> to vector<16xf32>
      %swap3A_66 = vector.shape_cast %broadcast_in_dim3A_0 : vector<16xf32> to vector<1x1x16xf32>
      tpu.vector_store %arg6[%swap3A_61, %swap3A_62, %swap3A_63], %swap3A_66 {strides = array<i32>} : memref<2x128x128xf32, #tpu.memory_space<vmem>>, vector<1x1x16xf32>,
      %swap3A_67 = arith.constant 0 : i32
      %swap3A_68 = arith.index_cast %swap3A_67 : i32 to index
      %swap3A_69 = arith.index_cast %scan3A_24 : i32 to index
      %swap3A_70 = arith.constant 96 : index
      %swap3A_71 = tpu.vector_load %arg6[%swap3A_68, %swap3A_69, %swap3A_70] {strides = array<i32>} : memref<2x128x128xf32, #tpu.memory_space<vmem>>, vector<1x1x16xf32>,
      %swap3A_72 = vector.shape_cast %swap3A_71 : vector<1x1x16xf32> to vector<16xf32>
      %swap3A_73 = vector.shape_cast %broadcast_in_dim3A_0 : vector<16xf32> to vector<1x1x16xf32>
      tpu.vector_store %arg6[%swap3A_68, %swap3A_69, %swap3A_70], %swap3A_73 {strides = array<i32>} : memref<2x128x128xf32, #tpu.memory_space<vmem>>, vector<1x1x16xf32>,
      %swap3A_74 = arith.constant 0 : i32
      %swap3A_75 = arith.index_cast %swap3A_74 : i32 to index
      %swap3A_76 = arith.index_cast %scan3A_24 : i32 to index
      %swap3A_77 = arith.constant 112 : index
      %swap3A_78 = tpu.vector_load %arg6[%swap3A_75, %swap3A_76, %swap3A_77] {strides = array<i32>} : memref<2x128x128xf32, #tpu.memory_space<vmem>>, vector<1x1x16xf32>,
      %swap3A_79 = vector.shape_cast %swap3A_78 : vector<1x1x16xf32> to vector<16xf32>
      %swap3A_80 = vector.shape_cast %broadcast_in_dim3A_0 : vector<16xf32> to vector<1x1x16xf32>
      tpu.vector_store %arg6[%swap3A_75, %swap3A_76, %swap3A_77], %swap3A_80 {strides = array<i32>} : memref<2x128x128xf32, #tpu.memory_space<vmem>>, vector<1x1x16xf32>,
      %scan3A_81 = arith.constant 0 : i32
      scf.yield %scan3A_81 : i32
    }
    %scan3A_6 = arith.constant 128 : i32
    %scan3A_7 = arith.constant 0 : i32
    %scan3A_8 = arith.constant 0 : i32
    %scan3A_9 = arith.constant 5 : i32
    %scan3A_10 = arith.addi %scan3A_8, %scan3A_9 : i32
    %scan3A_11 = arith.constant 1 : i32
    %scan3A_12 = scf.for %scan3A_24 = %scan3A_8 to %scan3A_10 step %scan3A_11 iter_args(%scan3A_25 = %scan3A_7) -> (i32)  : i32 {
      %mul3A_26 = arith.constant 640 : i32
      %mul3A_27 = arith.muli %arg1, %mul3A_26 : i32
      %mul3A_28 = arith.constant 128 : i32
      %mul3A_29 = arith.muli %scan3A_24, %mul3A_28 : i32
      %add3A = arith.addi %mul3A_27, %mul3A_29 : i32
      %run_scoped3A = arith.constant 0 : i32
      "tpu.region"() ({
        %run_scoped3A_31 = tpu.sem_alloc : memref<!tpu.dma_semaphore, #tpu.memory_space<semaphore_mem>>
        %dma_start3A = arith.constant 0 : i32
        %dma_start3A_32 = arith.constant 0 : i32
        %dma_start3A_33 = tpu.memref_slice %arg6[%run_scoped3A, %dma_start3A, %dma_start3A_32] : memref<2x128x128xf32, #tpu.memory_space<vmem>> -> memref<1x128x128xf32, #tpu.memory_space<vmem>>
        %dma_start3A_34 = tpu.memref_squeeze %dma_start3A_33 : memref<1x128x128xf32, #tpu.memory_space<vmem>> -> memref<128x128xf32, #tpu.memory_space<vmem>>
        %dma_start3A_35 = arith.constant 0 : i32
        %dma_start3A_36 = tpu.memref_slice %arg7[%add3A, %dma_start3A_35] : memref<10240x128xf32, #tpu.memory_space<vmem_shared>> -> memref<128x128xf32, #tpu.memory_space<vmem_shared>>
        %dma_start3A_37 = arith.constant 0 : i32
        %dma_start3A_38 = tpu.memref_slice %arg7[%add3A, %dma_start3A_37] : memref<10240x128xf32, #tpu.memory_space<vmem_shared>> -> memref<128x128xf32, #tpu.memory_space<vmem_shared>>
        %dma_start3A_39 = arith.constant 0 : i32
        %dma_start3A_40 = arith.constant 0 : i32
        %dma_start3A_41 = tpu.memref_slice %arg6[%run_scoped3A, %dma_start3A_39, %dma_start3A_40] : memref<2x128x128xf32, #tpu.memory_space<vmem>> -> memref<1x128x128xf32, #tpu.memory_space<vmem>>
        %dma_start3A_42 = tpu.memref_squeeze %dma_start3A_41 : memref<1x128x128xf32, #tpu.memory_space<vmem>> -> memref<128x128xf32, #tpu.memory_space<vmem>>
        tpu.enqueue_dma source(%dma_start3A_42 : memref<128x128xf32, #tpu.memory_space<vmem>>) target(%dma_start3A_38 : memref<128x128xf32, #tpu.memory_space<vmem_shared>>) target_semaphore(%run_scoped3A_31 : memref<!tpu.dma_semaphore, #tpu.memory_space<semaphore_mem>>)
        %dma_wait3A = arith.constant 0 : i32
        %dma_wait3A_43 = arith.constant 0 : i32
        %dma_wait3A_44 = tpu.memref_slice %arg6[%run_scoped3A, %dma_wait3A, %dma_wait3A_43] : memref<2x128x128xf32, #tpu.memory_space<vmem>> -> memref<1x128x128xf32, #tpu.memory_space<vmem>>
        %dma_wait3A_45 = tpu.memref_squeeze %dma_wait3A_44 : memref<1x128x128xf32, #tpu.memory_space<vmem>> -> memref<128x128xf32, #tpu.memory_space<vmem>>
        %dma_wait3A_46 = arith.constant 0 : i32
        %dma_wait3A_47 = tpu.memref_slice %arg7[%add3A, %dma_wait3A_46] : memref<10240x128xf32, #tpu.memory_space<vmem_shared>> -> memref<128x128xf32, #tpu.memory_space<vmem_shared>>
        %dma_wait3A_48 = arith.constant 0 : i32
        %dma_wait3A_49 = tpu.memref_slice %arg7[%add3A, %dma_wait3A_48] : memref<10240x128xf32, #tpu.memory_space<vmem_shared>> -> memref<128x128xf32, #tpu.memory_space<vmem_shared>>
        %dma_wait3A_50 = arith.constant 0 : i32
        %dma_wait3A_51 = arith.constant 0 : i32
        %dma_wait3A_52 = tpu.memref_slice %arg6[%run_scoped3A, %dma_wait3A_50, %dma_wait3A_51] : memref<2x128x128xf32, #tpu.memory_space<vmem>> -> memref<1x128x128xf32, #tpu.memory_space<vmem>>
        %dma_wait3A_53 = tpu.memref_squeeze %dma_wait3A_52 : memref<1x128x128xf32, #tpu.memory_space<vmem>> -> memref<128x128xf32, #tpu.memory_space<vmem>>
        tpu.wait_dma2 semaphore(%run_scoped3A_31 : memref<!tpu.dma_semaphore, #tpu.memory_space<semaphore_mem>>) src(%dma_wait3A_53 : memref<128x128xf32, #tpu.memory_space<vmem>>) dst(%dma_wait3A_49 : memref<128x128xf32, #tpu.memory_space<vmem_shared>>)
        tpu.yield
      }) : () -> ()
      %scan3A_30 = arith.constant 0 : i32
      scf.yield %scan3A_30 : i32
    }
    %scan3A_13 = arith.constant 5 : i32
    %barrier3A = arith.constant 0 : index
    tpu.barrier barrier_id(%barrier3A)
    %eq3A = arith.constant 0 : i32
    "tpu.trace_stop"() : () -> ()
    "tpu.trace_start"() <{level = 10 : i32, message = "edge_loop"}> : () -> ()
    %eq3A_14 = arith.cmpi eq, %arg0, %eq3A : i32
    %convert_element_type3A = arith.extui %eq3A_14 : i1 to i32
    %cond3A = arith.constant 0 : i32
    %cond3A_15 = arith.cmpi ne, %convert_element_type3A, %cond3A : i32
    scf.if %cond3A_15 {
      %mul3A_24 = arith.constant 118 : i32
      %mul3A_25 = arith.muli %arg1, %mul3A_24 : i32
      %add3A = arith.constant 0 : i32
      %add3A_26 = arith.addi %mul3A_25, %add3A : i32
      %run_scoped3A = arith.constant 0 : i32
      "tpu.region"() ({
        %run_scoped3A_91 = tpu.sem_alloc : memref<!tpu.dma_semaphore, #tpu.memory_space<semaphore_mem>>
        %dma_start3A_92 = arith.constant 0 : i32
        %dma_start3A_93 = arith.constant 0 : i32
        %dma_start3A_94 = tpu.memref_slice %arg5[%run_scoped3A, %dma_start3A_92, %dma_start3A_93] : memref<2x2x128xi32, #tpu.memory_space<vmem>> -> memref<1x2x128xi32, #tpu.memory_space<vmem>>
        %dma_start3A_95 = tpu.memref_squeeze %dma_start3A_94 : memref<1x2x128xi32, #tpu.memory_space<vmem>> -> memref<2x128xi32, #tpu.memory_space<vmem>>
        %dma_start3A_96 = arith.constant 0 : i32
        %dma_start3A_97 = arith.constant 0 : i32
        %dma_start3A_98 = tpu.memref_slice %arg3[%add3A_26, %dma_start3A_96, %dma_start3A_97] : memref<2514x2x128xi32, #tpu.memory_space<hbm>> -> memref<1x2x128xi32, #tpu.memory_space<hbm>>
        %dma_start3A_99 = tpu.memref_squeeze %dma_start3A_98 : memref<1x2x128xi32, #tpu.memory_space<hbm>> -> memref<2x128xi32, #tpu.memory_space<hbm>>
        %dma_start3A_100 = arith.constant 0 : i32
        %dma_start3A_101 = arith.constant 0 : i32
        %dma_start3A_102 = tpu.memref_slice %arg5[%run_scoped3A, %dma_start3A_100, %dma_start3A_101] : memref<2x2x128xi32, #tpu.memory_space<vmem>> -> memref<1x2x128xi32, #tpu.memory_space<vmem>>
        %dma_start3A_103 = tpu.memref_squeeze %dma_start3A_102 : memref<1x2x128xi32, #tpu.memory_space<vmem>> -> memref<2x128xi32, #tpu.memory_space<vmem>>
        %dma_start3A_104 = arith.constant 0 : i32
        %dma_start3A_105 = arith.constant 0 : i32
        %dma_start3A_106 = tpu.memref_slice %arg3[%add3A_26, %dma_start3A_104, %dma_start3A_105] : memref<2514x2x128xi32, #tpu.memory_space<hbm>> -> memref<1x2x128xi32, #tpu.memory_space<hbm>>
        %dma_start3A_107 = tpu.memref_squeeze %dma_start3A_106 : memref<1x2x128xi32, #tpu.memory_space<hbm>> -> memref<2x128xi32, #tpu.memory_space<hbm>>
        tpu.enqueue_dma source(%dma_start3A_107 : memref<2x128xi32, #tpu.memory_space<hbm>>) target(%dma_start3A_103 : memref<2x128xi32, #tpu.memory_space<vmem>>) target_semaphore(%run_scoped3A_91 : memref<!tpu.dma_semaphore, #tpu.memory_space<semaphore_mem>>)
        %dma_wait3A_108 = arith.constant 0 : i32
        %dma_wait3A_109 = arith.constant 0 : i32
        %dma_wait3A_110 = tpu.memref_slice %arg5[%run_scoped3A, %dma_wait3A_108, %dma_wait3A_109] : memref<2x2x128xi32, #tpu.memory_space<vmem>> -> memref<1x2x128xi32, #tpu.memory_space<vmem>>
        %dma_wait3A_111 = tpu.memref_squeeze %dma_wait3A_110 : memref<1x2x128xi32, #tpu.memory_space<vmem>> -> memref<2x128xi32, #tpu.memory_space<vmem>>
        %dma_wait3A_112 = arith.constant 0 : i32
        %dma_wait3A_113 = arith.constant 0 : i32
        %dma_wait3A_114 = tpu.memref_slice %arg3[%add3A_26, %dma_wait3A_112, %dma_wait3A_113] : memref<2514x2x128xi32, #tpu.memory_space<hbm>> -> memref<1x2x128xi32, #tpu.memory_space<hbm>>
        %dma_wait3A_115 = tpu.memref_squeeze %dma_wait3A_114 : memref<1x2x128xi32, #tpu.memory_space<hbm>> -> memref<2x128xi32, #tpu.memory_space<hbm>>
        %dma_wait3A_116 = arith.constant 0 : i32
        %dma_wait3A_117 = arith.constant 0 : i32
        %dma_wait3A_118 = tpu.memref_slice %arg5[%run_scoped3A, %dma_wait3A_116, %dma_wait3A_117] : memref<2x2x128xi32, #tpu.memory_space<vmem>> -> memref<1x2x128xi32, #tpu.memory_space<vmem>>
        %dma_wait3A_119 = tpu.memref_squeeze %dma_wait3A_118 : memref<1x2x128xi32, #tpu.memory_space<vmem>> -> memref<2x128xi32, #tpu.memory_space<vmem>>
        %dma_wait3A_120 = arith.constant 0 : i32
        %dma_wait3A_121 = arith.constant 0 : i32
        %dma_wait3A_122 = tpu.memref_slice %arg3[%add3A_26, %dma_wait3A_120, %dma_wait3A_121] : memref<2514x2x128xi32, #tpu.memory_space<hbm>> -> memref<1x2x128xi32, #tpu.memory_space<hbm>>
        %dma_wait3A_123 = tpu.memref_squeeze %dma_wait3A_122 : memref<1x2x128xi32, #tpu.memory_space<hbm>> -> memref<2x128xi32, #tpu.memory_space<hbm>>
        tpu.wait_dma2 semaphore(%run_scoped3A_91 : memref<!tpu.dma_semaphore, #tpu.memory_space<semaphore_mem>>) src(%dma_wait3A_123 : memref<2x128xi32, #tpu.memory_space<hbm>>) dst(%dma_wait3A_119 : memref<2x128xi32, #tpu.memory_space<vmem>>)
        tpu.yield
      }) : () -> ()
      %dma_start3A = arith.constant 0 : i32
      %dma_start3A_27 = arith.constant 0 : i32
      %dma_start3A_28 = arith.constant 0 : i32
      %dma_start3A_29 = arith.constant 0 : i32
      %dma_start3A_30 = arith.constant 0 : i32
      %dma_start3A_31 = tpu.memref_slice %arg6[%dma_start3A_28, %dma_start3A_29, %dma_start3A_30] : memref<2x128x128xf32, #tpu.memory_space<vmem>> -> memref<1x128x128xf32, #tpu.memory_space<vmem>>
      %dma_start3A_32 = tpu.memref_squeeze %dma_start3A_31 : memref<1x128x128xf32, #tpu.memory_space<vmem>> -> memref<128x128xf32, #tpu.memory_space<vmem>>
      %dma_start3A_33 = arith.constant 0 : i32
      %dma_start3A_34 = tpu.memref_slice %arg5[%dma_start3A, %dma_start3A_27, %dma_start3A_33] : memref<2x2x128xi32, #tpu.memory_space<vmem>> -> memref<1x1x128xi32, #tpu.memory_space<vmem>>
      %dma_start3A_35 = tpu.memref_squeeze %dma_start3A_34 : memref<1x1x128xi32, #tpu.memory_space<vmem>> -> memref<128xi32, #tpu.memory_space<vmem>>
      %dma_start3A_36 = arith.constant 0 : i32
      %dma_start3A_37 = arith.constant 0 : i32
      %dma_start3A_38 = tpu.memref_slice %arg2[%dma_start3A_36, %dma_start3A_37] : memref<10000x128xf32, #tpu.memory_space<hbm>> -> memref<10000x128xf32, #tpu.memory_space<hbm>>
      tpu.enqueue_indirect_dma source(%dma_start3A_38 : memref<10000x128xf32, #tpu.memory_space<hbm>>) target(%dma_start3A_32 : memref<128x128xf32, #tpu.memory_space<vmem>>) offsets(%dma_start3A_35 : memref<128xi32, #tpu.memory_space<vmem>>) semaphore(%arg8 : memref<!tpu.dma_semaphore, #tpu.memory_space<semaphore_mem>>)
      %add3A_39 = arith.constant 1 : i32
      %add3A_40 = arith.addi %mul3A_25, %add3A_39 : i32
      %run_scoped3A_41 = arith.constant 1 : i32
      "tpu.region"() ({
        %run_scoped3A_91 = tpu.sem_alloc : memref<!tpu.dma_semaphore, #tpu.memory_space<semaphore_mem>>
        %dma_start3A_92 = arith.constant 0 : i32
        %dma_start3A_93 = arith.constant 0 : i32
        %dma_start3A_94 = tpu.memref_slice %arg5[%run_scoped3A_41, %dma_start3A_92, %dma_start3A_93] : memref<2x2x128xi32, #tpu.memory_space<vmem>> -> memref<1x2x128xi32, #tpu.memory_space<vmem>>
        %dma_start3A_95 = tpu.memref_squeeze %dma_start3A_94 : memref<1x2x128xi32, #tpu.memory_space<vmem>> -> memref<2x128xi32, #tpu.memory_space<vmem>>
        %dma_start3A_96 = arith.constant 0 : i32
        %dma_start3A_97 = arith.constant 0 : i32
        %dma_start3A_98 = tpu.memref_slice %arg3[%add3A_40, %dma_start3A_96, %dma_start3A_97] : memref<2514x2x128xi32, #tpu.memory_space<hbm>> -> memref<1x2x128xi32, #tpu.memory_space<hbm>>
        %dma_start3A_99 = tpu.memref_squeeze %dma_start3A_98 : memref<1x2x128xi32, #tpu.memory_space<hbm>> -> memref<2x128xi32, #tpu.memory_space<hbm>>
        %dma_start3A_100 = arith.constant 0 : i32
        %dma_start3A_101 = arith.constant 0 : i32
        %dma_start3A_102 = tpu.memref_slice %arg5[%run_scoped3A_41, %dma_start3A_100, %dma_start3A_101] : memref<2x2x128xi32, #tpu.memory_space<vmem>> -> memref<1x2x128xi32, #tpu.memory_space<vmem>>
        %dma_start3A_103 = tpu.memref_squeeze %dma_start3A_102 : memref<1x2x128xi32, #tpu.memory_space<vmem>> -> memref<2x128xi32, #tpu.memory_space<vmem>>
        %dma_start3A_104 = arith.constant 0 : i32
        %dma_start3A_105 = arith.constant 0 : i32
        %dma_start3A_106 = tpu.memref_slice %arg3[%add3A_40, %dma_start3A_104, %dma_start3A_105] : memref<2514x2x128xi32, #tpu.memory_space<hbm>> -> memref<1x2x128xi32, #tpu.memory_space<hbm>>
        %dma_start3A_107 = tpu.memref_squeeze %dma_start3A_106 : memref<1x2x128xi32, #tpu.memory_space<hbm>> -> memref<2x128xi32, #tpu.memory_space<hbm>>
        tpu.enqueue_dma source(%dma_start3A_107 : memref<2x128xi32, #tpu.memory_space<hbm>>) target(%dma_start3A_103 : memref<2x128xi32, #tpu.memory_space<vmem>>) target_semaphore(%run_scoped3A_91 : memref<!tpu.dma_semaphore, #tpu.memory_space<semaphore_mem>>)
        %dma_wait3A_108 = arith.constant 0 : i32
        %dma_wait3A_109 = arith.constant 0 : i32
        %dma_wait3A_110 = tpu.memref_slice %arg5[%run_scoped3A_41, %dma_wait3A_108, %dma_wait3A_109] : memref<2x2x128xi32, #tpu.memory_space<vmem>> -> memref<1x2x128xi32, #tpu.memory_space<vmem>>
        %dma_wait3A_111 = tpu.memref_squeeze %dma_wait3A_110 : memref<1x2x128xi32, #tpu.memory_space<vmem>> -> memref<2x128xi32, #tpu.memory_space<vmem>>
        %dma_wait3A_112 = arith.constant 0 : i32
        %dma_wait3A_113 = arith.constant 0 : i32
        %dma_wait3A_114 = tpu.memref_slice %arg3[%add3A_40, %dma_wait3A_112, %dma_wait3A_113] : memref<2514x2x128xi32, #tpu.memory_space<hbm>> -> memref<1x2x128xi32, #tpu.memory_space<hbm>>
        %dma_wait3A_115 = tpu.memref_squeeze %dma_wait3A_114 : memref<1x2x128xi32, #tpu.memory_space<hbm>> -> memref<2x128xi32, #tpu.memory_space<hbm>>
        %dma_wait3A_116 = arith.constant 0 : i32
        %dma_wait3A_117 = arith.constant 0 : i32
        %dma_wait3A_118 = tpu.memref_slice %arg5[%run_scoped3A_41, %dma_wait3A_116, %dma_wait3A_117] : memref<2x2x128xi32, #tpu.memory_space<vmem>> -> memref<1x2x128xi32, #tpu.memory_space<vmem>>
        %dma_wait3A_119 = tpu.memref_squeeze %dma_wait3A_118 : memref<1x2x128xi32, #tpu.memory_space<vmem>> -> memref<2x128xi32, #tpu.memory_space<vmem>>
        %dma_wait3A_120 = arith.constant 0 : i32
        %dma_wait3A_121 = arith.constant 0 : i32
        %dma_wait3A_122 = tpu.memref_slice %arg3[%add3A_40, %dma_wait3A_120, %dma_wait3A_121] : memref<2514x2x128xi32, #tpu.memory_space<hbm>> -> memref<1x2x128xi32, #tpu.memory_space<hbm>>
        %dma_wait3A_123 = tpu.memref_squeeze %dma_wait3A_122 : memref<1x2x128xi32, #tpu.memory_space<hbm>> -> memref<2x128xi32, #tpu.memory_space<hbm>>
        tpu.wait_dma2 semaphore(%run_scoped3A_91 : memref<!tpu.dma_semaphore, #tpu.memory_space<semaphore_mem>>) src(%dma_wait3A_123 : memref<2x128xi32, #tpu.memory_space<hbm>>) dst(%dma_wait3A_119 : memref<2x128xi32, #tpu.memory_space<vmem>>)
        tpu.yield
      }) : () -> ()
      %dma_start3A_42 = arith.constant 1 : i32
      %dma_start3A_43 = arith.constant 0 : i32
      %dma_start3A_44 = arith.constant 1 : i32
      %dma_start3A_45 = arith.constant 0 : i32
      %dma_start3A_46 = arith.constant 0 : i32
      %dma_start3A_47 = tpu.memref_slice %arg6[%dma_start3A_44, %dma_start3A_45, %dma_start3A_46] : memref<2x128x128xf32, #tpu.memory_space<vmem>> -> memref<1x128x128xf32, #tpu.memory_space<vmem>>
      %dma_start3A_48 = tpu.memref_squeeze %dma_start3A_47 : memref<1x128x128xf32, #tpu.memory_space<vmem>> -> memref<128x128xf32, #tpu.memory_space<vmem>>
      %dma_start3A_49 = arith.constant 0 : i32
      %dma_start3A_50 = tpu.memref_slice %arg5[%dma_start3A_42, %dma_start3A_43, %dma_start3A_49] : memref<2x2x128xi32, #tpu.memory_space<vmem>> -> memref<1x1x128xi32, #tpu.memory_space<vmem>>
      %dma_start3A_51 = tpu.memref_squeeze %dma_start3A_50 : memref<1x1x128xi32, #tpu.memory_space<vmem>> -> memref<128xi32, #tpu.memory_space<vmem>>
      %dma_start3A_52 = arith.constant 0 : i32
      %dma_start3A_53 = arith.constant 0 : i32
      %dma_start3A_54 = tpu.memref_slice %arg2[%dma_start3A_52, %dma_start3A_53] : memref<10000x128xf32, #tpu.memory_space<hbm>> -> memref<10000x128xf32, #tpu.memory_space<hbm>>
      tpu.enqueue_indirect_dma source(%dma_start3A_54 : memref<10000x128xf32, #tpu.memory_space<hbm>>) target(%dma_start3A_48 : memref<128x128xf32, #tpu.memory_space<vmem>>) offsets(%dma_start3A_51 : memref<128xi32, #tpu.memory_space<vmem>>) semaphore(%arg9 : memref<!tpu.dma_semaphore, #tpu.memory_space<semaphore_mem>>)
      %scan3A_55 = arith.constant 0 : i32
      %scan3A_56 = arith.constant 0 : i32
      %scan3A_57 = arith.constant 59 : i32
      %scan3A_58 = arith.addi %scan3A_56, %scan3A_57 : i32
      %scan3A_59 = arith.constant 1 : i32
      %scan3A_60 = scf.for %scan3A_91 = %scan3A_56 to %scan3A_58 step %scan3A_59 iter_args(%scan3A_92 = %scan3A_55) -> (i32)  : i32 {
        %mul3A_93 = arith.constant 2 : i32
        %mul3A_94 = arith.muli %mul3A_93, %scan3A_91 : i32
        %add3A_95 = arith.constant 0 : i32
        %add3A_96 = arith.addi %mul3A_94, %add3A_95 : i32
        %dma_wait3A_97 = arith.constant 0 : i32
        %dma_wait3A_98 = arith.constant 0 : i32
        %dma_wait3A_99 = arith.constant 0 : i32
        %dma_wait3A_100 = tpu.memref_slice %arg6[%dma_wait3A_97, %dma_wait3A_98, %dma_wait3A_99] : memref<2x128x128xf32, #tpu.memory_space<vmem>> -> memref<1x128x128xf32, #tpu.memory_space<vmem>>
        %dma_wait3A_101 = tpu.memref_squeeze %dma_wait3A_100 : memref<1x128x128xf32, #tpu.memory_space<vmem>> -> memref<128x128xf32, #tpu.memory_space<vmem>>
        %dma_wait3A_102 = arith.constant 0 : i32
        %dma_wait3A_103 = arith.constant 0 : i32
        %dma_wait3A_104 = tpu.memref_slice %arg2[%dma_wait3A_102, %dma_wait3A_103] : memref<10000x128xf32, #tpu.memory_space<hbm>> -> memref<128x128xf32, #tpu.memory_space<hbm>>
        %dma_wait3A_105 = arith.constant 0 : i32
        %dma_wait3A_106 = arith.constant 0 : i32
        %dma_wait3A_107 = tpu.memref_slice %arg6[%dma_wait3A_97, %dma_wait3A_105, %dma_wait3A_106] : memref<2x128x128xf32, #tpu.memory_space<vmem>> -> memref<1x128x128xf32, #tpu.memory_space<vmem>>
        %dma_wait3A_108 = tpu.memref_squeeze %dma_wait3A_107 : memref<1x128x128xf32, #tpu.memory_space<vmem>> -> memref<128x128xf32, #tpu.memory_space<vmem>>
        %dma_wait3A_109 = arith.constant 0 : i32
        %dma_wait3A_110 = arith.constant 0 : i32
        %dma_wait3A_111 = tpu.memref_slice %arg2[%dma_wait3A_109, %dma_wait3A_110] : memref<10000x128xf32, #tpu.memory_space<hbm>> -> memref<128x128xf32, #tpu.memory_space<hbm>>
        tpu.wait_dma2 semaphore(%arg8 : memref<!tpu.dma_semaphore, #tpu.memory_space<semaphore_mem>>) src(%dma_wait3A_111 : memref<128x128xf32, #tpu.memory_space<hbm>>) dst(%dma_wait3A_108 : memref<128x128xf32, #tpu.memory_space<vmem>>)
        %run_scoped3A_112 = arith.constant 0 : i32
        %run_scoped3A_113 = arith.constant 0 : i32
        %run_scoped3A_114 = arith.constant 1 : i32
        "tpu.region"() ({
          %run_scoped3A_172 = tpu.sem_alloc : memref<!tpu.dma_semaphore, #tpu.memory_space<semaphore_mem>>
          %dma_start3A_173 = arith.constant 0 : i32
          %dma_start3A_174 = arith.constant 0 : i32
          %dma_start3A_175 = tpu.memref_slice %arg6[%run_scoped3A_112, %dma_start3A_173, %dma_start3A_174] : memref<2x128x128xf32, #tpu.memory_space<vmem>> -> memref<1x128x128xf32, #tpu.memory_space<vmem>>
          %dma_start3A_176 = tpu.memref_squeeze %dma_start3A_175 : memref<1x128x128xf32, #tpu.memory_space<vmem>> -> memref<128x128xf32, #tpu.memory_space<vmem>>
          %dma_start3A_177 = arith.constant 0 : i32
          %dma_start3A_178 = tpu.memref_slice %arg5[%run_scoped3A_113, %run_scoped3A_114, %dma_start3A_177] : memref<2x2x128xi32, #tpu.memory_space<vmem>> -> memref<1x1x128xi32, #tpu.memory_space<vmem>>
          %dma_start3A_179 = tpu.memref_squeeze %dma_start3A_178 : memref<1x1x128xi32, #tpu.memory_space<vmem>> -> memref<128xi32, #tpu.memory_space<vmem>>
          %dma_start3A_180 = arith.constant 0 : i32
          %dma_start3A_181 = arith.constant 0 : i32
          %dma_start3A_182 = tpu.memref_slice %arg7[%dma_start3A_180, %dma_start3A_181] : memref<10240x128xf32, #tpu.memory_space<vmem_shared>> -> memref<10240x128xf32, #tpu.memory_space<vmem_shared>>
          tpu.enqueue_indirect_dma source(%dma_start3A_176 : memref<128x128xf32, #tpu.memory_space<vmem>>) target(%dma_start3A_182 : memref<10240x128xf32, #tpu.memory_space<vmem_shared>>) offsets(%dma_start3A_179 : memref<128xi32, #tpu.memory_space<vmem>>) semaphore(%run_scoped3A_172 : memref<!tpu.dma_semaphore, #tpu.memory_space<semaphore_mem>>) {add = true}
          %dma_wait3A_183 = arith.constant 0 : i32
          %dma_wait3A_184 = arith.constant 0 : i32
          %dma_wait3A_185 = tpu.memref_slice %arg6[%run_scoped3A_112, %dma_wait3A_183, %dma_wait3A_184] : memref<2x128x128xf32, #tpu.memory_space<vmem>> -> memref<1x128x128xf32, #tpu.memory_space<vmem>>
          %dma_wait3A_186 = tpu.memref_squeeze %dma_wait3A_185 : memref<1x128x128xf32, #tpu.memory_space<vmem>> -> memref<128x128xf32, #tpu.memory_space<vmem>>
          %dma_wait3A_187 = arith.constant 0 : i32
          %dma_wait3A_188 = tpu.memref_slice %arg5[%run_scoped3A_113, %run_scoped3A_114, %dma_wait3A_187] : memref<2x2x128xi32, #tpu.memory_space<vmem>> -> memref<1x1x128xi32, #tpu.memory_space<vmem>>
          %dma_wait3A_189 = tpu.memref_squeeze %dma_wait3A_188 : memref<1x1x128xi32, #tpu.memory_space<vmem>> -> memref<128xi32, #tpu.memory_space<vmem>>
          %dma_wait3A_190 = arith.constant 0 : i32
          %dma_wait3A_191 = arith.constant 0 : i32
          %dma_wait3A_192 = tpu.memref_slice %arg7[%dma_wait3A_190, %dma_wait3A_191] : memref<10240x128xf32, #tpu.memory_space<vmem_shared>> -> memref<10240x128xf32, #tpu.memory_space<vmem_shared>>
          tpu.wait_indirect_dma semaphore(%run_scoped3A_172 : memref<!tpu.dma_semaphore, #tpu.memory_space<semaphore_mem>>) src(%dma_wait3A_186 : memref<128x128xf32, #tpu.memory_space<vmem>>) dst(%dma_wait3A_192 : memref<10240x128xf32, #tpu.memory_space<vmem_shared>>)
          tpu.yield
        }) : () -> ()
        %add3A_115 = arith.addi %mul3A_25, %add3A_96 : i32
        %add3A_116 = arith.constant 2 : i32
        %add3A_117 = arith.addi %add3A_115, %add3A_116 : i32
        %run_scoped3A_118 = arith.constant 0 : i32
        "tpu.region"() ({
          %run_scoped3A_172 = tpu.sem_alloc : memref<!tpu.dma_semaphore, #tpu.memory_space<semaphore_mem>>
          %dma_start3A_173 = arith.constant 0 : i32
          %dma_start3A_174 = arith.constant 0 : i32
          %dma_start3A_175 = tpu.memref_slice %arg5[%run_scoped3A_118, %dma_start3A_173, %dma_start3A_174] : memref<2x2x128xi32, #tpu.memory_space<vmem>> -> memref<1x2x128xi32, #tpu.memory_space<vmem>>
          %dma_start3A_176 = tpu.memref_squeeze %dma_start3A_175 : memref<1x2x128xi32, #tpu.memory_space<vmem>> -> memref<2x128xi32, #tpu.memory_space<vmem>>
          %dma_start3A_177 = arith.constant 0 : i32
          %dma_start3A_178 = arith.constant 0 : i32
          %dma_start3A_179 = tpu.memref_slice %arg3[%add3A_117, %dma_start3A_177, %dma_start3A_178] : memref<2514x2x128xi32, #tpu.memory_space<hbm>> -> memref<1x2x128xi32, #tpu.memory_space<hbm>>
          %dma_start3A_180 = tpu.memref_squeeze %dma_start3A_179 : memref<1x2x128xi32, #tpu.memory_space<hbm>> -> memref<2x128xi32, #tpu.memory_space<hbm>>
          %dma_start3A_181 = arith.constant 0 : i32
          %dma_start3A_182 = arith.constant 0 : i32
          %dma_start3A_183 = tpu.memref_slice %arg5[%run_scoped3A_118, %dma_start3A_181, %dma_start3A_182] : memref<2x2x128xi32, #tpu.memory_space<vmem>> -> memref<1x2x128xi32, #tpu.memory_space<vmem>>
          %dma_start3A_184 = tpu.memref_squeeze %dma_start3A_183 : memref<1x2x128xi32, #tpu.memory_space<vmem>> -> memref<2x128xi32, #tpu.memory_space<vmem>>
          %dma_start3A_185 = arith.constant 0 : i32
          %dma_start3A_186 = arith.constant 0 : i32
          %dma_start3A_187 = tpu.memref_slice %arg3[%add3A_117, %dma_start3A_185, %dma_start3A_186] : memref<2514x2x128xi32, #tpu.memory_space<hbm>> -> memref<1x2x128xi32, #tpu.memory_space<hbm>>
          %dma_start3A_188 = tpu.memref_squeeze %dma_start3A_187 : memref<1x2x128xi32, #tpu.memory_space<hbm>> -> memref<2x128xi32, #tpu.memory_space<hbm>>
          tpu.enqueue_dma source(%dma_start3A_188 : memref<2x128xi32, #tpu.memory_space<hbm>>) target(%dma_start3A_184 : memref<2x128xi32, #tpu.memory_space<vmem>>) target_semaphore(%run_scoped3A_172 : memref<!tpu.dma_semaphore, #tpu.memory_space<semaphore_mem>>)
          %dma_wait3A_189 = arith.constant 0 : i32
          %dma_wait3A_190 = arith.constant 0 : i32
          %dma_wait3A_191 = tpu.memref_slice %arg5[%run_scoped3A_118, %dma_wait3A_189, %dma_wait3A_190] : memref<2x2x128xi32, #tpu.memory_space<vmem>> -> memref<1x2x128xi32, #tpu.memory_space<vmem>>
          %dma_wait3A_192 = tpu.memref_squeeze %dma_wait3A_191 : memref<1x2x128xi32, #tpu.memory_space<vmem>> -> memref<2x128xi32, #tpu.memory_space<vmem>>
          %dma_wait3A_193 = arith.constant 0 : i32
          %dma_wait3A_194 = arith.constant 0 : i32
          %dma_wait3A_195 = tpu.memref_slice %arg3[%add3A_117, %dma_wait3A_193, %dma_wait3A_194] : memref<2514x2x128xi32, #tpu.memory_space<hbm>> -> memref<1x2x128xi32, #tpu.memory_space<hbm>>
          %dma_wait3A_196 = tpu.memref_squeeze %dma_wait3A_195 : memref<1x2x128xi32, #tpu.memory_space<hbm>> -> memref<2x128xi32, #tpu.memory_space<hbm>>
          %dma_wait3A_197 = arith.constant 0 : i32
          %dma_wait3A_198 = arith.constant 0 : i32
          %dma_wait3A_199 = tpu.memref_slice %arg5[%run_scoped3A_118, %dma_wait3A_197, %dma_wait3A_198] : memref<2x2x128xi32, #tpu.memory_space<vmem>> -> memref<1x2x128xi32, #tpu.memory_space<vmem>>
          %dma_wait3A_200 = tpu.memref_squeeze %dma_wait3A_199 : memref<1x2x128xi32, #tpu.memory_space<vmem>> -> memref<2x128xi32, #tpu.memory_space<vmem>>
          %dma_wait3A_201 = arith.constant 0 : i32
          %dma_wait3A_202 = arith.constant 0 : i32
          %dma_wait3A_203 = tpu.memref_slice %arg3[%add3A_117, %dma_wait3A_201, %dma_wait3A_202] : memref<2514x2x128xi32, #tpu.memory_space<hbm>> -> memref<1x2x128xi32, #tpu.memory_space<hbm>>
          %dma_wait3A_204 = tpu.memref_squeeze %dma_wait3A_203 : memref<1x2x128xi32, #tpu.memory_space<hbm>> -> memref<2x128xi32, #tpu.memory_space<hbm>>
          tpu.wait_dma2 semaphore(%run_scoped3A_172 : memref<!tpu.dma_semaphore, #tpu.memory_space<semaphore_mem>>) src(%dma_wait3A_204 : memref<2x128xi32, #tpu.memory_space<hbm>>) dst(%dma_wait3A_200 : memref<2x128xi32, #tpu.memory_space<vmem>>)
          tpu.yield
        }) : () -> ()
        %dma_start3A_119 = arith.constant 0 : i32
        %dma_start3A_120 = arith.constant 0 : i32
        %dma_start3A_121 = arith.constant 0 : i32
        %dma_start3A_122 = arith.constant 0 : i32
        %dma_start3A_123 = arith.constant 0 : i32
        %dma_start3A_124 = tpu.memref_slice %arg6[%dma_start3A_121, %dma_start3A_122, %dma_start3A_123] : memref<2x128x128xf32, #tpu.memory_space<vmem>> -> memref<1x128x128xf32, #tpu.memory_space<vmem>>
        %dma_start3A_125 = tpu.memref_squeeze %dma_start3A_124 : memref<1x128x128xf32, #tpu.memory_space<vmem>> -> memref<128x128xf32, #tpu.memory_space<vmem>>
        %dma_start3A_126 = arith.constant 0 : i32
        %dma_start3A_127 = tpu.memref_slice %arg5[%dma_start3A_119, %dma_start3A_120, %dma_start3A_126] : memref<2x2x128xi32, #tpu.memory_space<vmem>> -> memref<1x1x128xi32, #tpu.memory_space<vmem>>
        %dma_start3A_128 = tpu.memref_squeeze %dma_start3A_127 : memref<1x1x128xi32, #tpu.memory_space<vmem>> -> memref<128xi32, #tpu.memory_space<vmem>>
        %dma_start3A_129 = arith.constant 0 : i32
        %dma_start3A_130 = arith.constant 0 : i32
        %dma_start3A_131 = tpu.memref_slice %arg2[%dma_start3A_129, %dma_start3A_130] : memref<10000x128xf32, #tpu.memory_space<hbm>> -> memref<10000x128xf32, #tpu.memory_space<hbm>>
        tpu.enqueue_indirect_dma source(%dma_start3A_131 : memref<10000x128xf32, #tpu.memory_space<hbm>>) target(%dma_start3A_125 : memref<128x128xf32, #tpu.memory_space<vmem>>) offsets(%dma_start3A_128 : memref<128xi32, #tpu.memory_space<vmem>>) semaphore(%arg8 : memref<!tpu.dma_semaphore, #tpu.memory_space<semaphore_mem>>)
        %mul3A_132 = arith.constant 2 : i32
        %mul3A_133 = arith.muli %mul3A_132, %scan3A_91 : i32
        %add3A_134 = arith.constant 1 : i32
        %add3A_135 = arith.addi %mul3A_133, %add3A_134 : i32
        %dma_wait3A_136 = arith.constant 1 : i32
        %dma_wait3A_137 = arith.constant 0 : i32
        %dma_wait3A_138 = arith.constant 0 : i32
        %dma_wait3A_139 = tpu.memref_slice %arg6[%dma_wait3A_136, %dma_wait3A_137, %dma_wait3A_138] : memref<2x128x128xf32, #tpu.memory_space<vmem>> -> memref<1x128x128xf32, #tpu.memory_space<vmem>>
        %dma_wait3A_140 = tpu.memref_squeeze %dma_wait3A_139 : memref<1x128x128xf32, #tpu.memory_space<vmem>> -> memref<128x128xf32, #tpu.memory_space<vmem>>
        %dma_wait3A_141 = arith.constant 0 : i32
        %dma_wait3A_142 = arith.constant 0 : i32
        %dma_wait3A_143 = tpu.memref_slice %arg2[%dma_wait3A_141, %dma_wait3A_142] : memref<10000x128xf32, #tpu.memory_space<hbm>> -> memref<128x128xf32, #tpu.memory_space<hbm>>
        %dma_wait3A_144 = arith.constant 0 : i32
        %dma_wait3A_145 = arith.constant 0 : i32
        %dma_wait3A_146 = tpu.memref_slice %arg6[%dma_wait3A_136, %dma_wait3A_144, %dma_wait3A_145] : memref<2x128x128xf32, #tpu.memory_space<vmem>> -> memref<1x128x128xf32, #tpu.memory_space<vmem>>
        %dma_wait3A_147 = tpu.memref_squeeze %dma_wait3A_146 : memref<1x128x128xf32, #tpu.memory_space<vmem>> -> memref<128x128xf32, #tpu.memory_space<vmem>>
        %dma_wait3A_148 = arith.constant 0 : i32
        %dma_wait3A_149 = arith.constant 0 : i32
        %dma_wait3A_150 = tpu.memref_slice %arg2[%dma_wait3A_148, %dma_wait3A_149] : memref<10000x128xf32, #tpu.memory_space<hbm>> -> memref<128x128xf32, #tpu.memory_space<hbm>>
        tpu.wait_dma2 semaphore(%arg9 : memref<!tpu.dma_semaphore, #tpu.memory_space<semaphore_mem>>) src(%dma_wait3A_150 : memref<128x128xf32, #tpu.memory_space<hbm>>) dst(%dma_wait3A_147 : memref<128x128xf32, #tpu.memory_space<vmem>>)
        %run_scoped3A_151 = arith.constant 1 : i32
        %run_scoped3A_152 = arith.constant 1 : i32
        %run_scoped3A_153 = arith.constant 1 : i32
        "tpu.region"() ({
          %run_scoped3A_172 = tpu.sem_alloc : memref<!tpu.dma_semaphore, #tpu.memory_space<semaphore_mem>>
          %dma_start3A_173 = arith.constant 0 : i32
          %dma_start3A_174 = arith.constant 0 : i32
          %dma_start3A_175 = tpu.memref_slice %arg6[%run_scoped3A_151, %dma_start3A_173, %dma_start3A_174] : memref<2x128x128xf32, #tpu.memory_space<vmem>> -> memref<1x128x128xf32, #tpu.memory_space<vmem>>
          %dma_start3A_176 = tpu.memref_squeeze %dma_start3A_175 : memref<1x128x128xf32, #tpu.memory_space<vmem>> -> memref<128x128xf32, #tpu.memory_space<vmem>>
          %dma_start3A_177 = arith.constant 0 : i32
          %dma_start3A_178 = tpu.memref_slice %arg5[%run_scoped3A_152, %run_scoped3A_153, %dma_start3A_177] : memref<2x2x128xi32, #tpu.memory_space<vmem>> -> memref<1x1x128xi32, #tpu.memory_space<vmem>>
          %dma_start3A_179 = tpu.memref_squeeze %dma_start3A_178 : memref<1x1x128xi32, #tpu.memory_space<vmem>> -> memref<128xi32, #tpu.memory_space<vmem>>
          %dma_start3A_180 = arith.constant 0 : i32
          %dma_start3A_181 = arith.constant 0 : i32
          %dma_start3A_182 = tpu.memref_slice %arg7[%dma_start3A_180, %dma_start3A_181] : memref<10240x128xf32, #tpu.memory_space<vmem_shared>> -> memref<10240x128xf32, #tpu.memory_space<vmem_shared>>
          tpu.enqueue_indirect_dma source(%dma_start3A_176 : memref<128x128xf32, #tpu.memory_space<vmem>>) target(%dma_start3A_182 : memref<10240x128xf32, #tpu.memory_space<vmem_shared>>) offsets(%dma_start3A_179 : memref<128xi32, #tpu.memory_space<vmem>>) semaphore(%run_scoped3A_172 : memref<!tpu.dma_semaphore, #tpu.memory_space<semaphore_mem>>) {add = true}
          %dma_wait3A_183 = arith.constant 0 : i32
          %dma_wait3A_184 = arith.constant 0 : i32
          %dma_wait3A_185 = tpu.memref_slice %arg6[%run_scoped3A_151, %dma_wait3A_183, %dma_wait3A_184] : memref<2x128x128xf32, #tpu.memory_space<vmem>> -> memref<1x128x128xf32, #tpu.memory_space<vmem>>
          %dma_wait3A_186 = tpu.memref_squeeze %dma_wait3A_185 : memref<1x128x128xf32, #tpu.memory_space<vmem>> -> memref<128x128xf32, #tpu.memory_space<vmem>>
          %dma_wait3A_187 = arith.constant 0 : i32
          %dma_wait3A_188 = tpu.memref_slice %arg5[%run_scoped3A_152, %run_scoped3A_153, %dma_wait3A_187] : memref<2x2x128xi32, #tpu.memory_space<vmem>> -> memref<1x1x128xi32, #tpu.memory_space<vmem>>
          %dma_wait3A_189 = tpu.memref_squeeze %dma_wait3A_188 : memref<1x1x128xi32, #tpu.memory_space<vmem>> -> memref<128xi32, #tpu.memory_space<vmem>>
          %dma_wait3A_190 = arith.constant 0 : i32
          %dma_wait3A_191 = arith.constant 0 : i32
          %dma_wait3A_192 = tpu.memref_slice %arg7[%dma_wait3A_190, %dma_wait3A_191] : memref<10240x128xf32, #tpu.memory_space<vmem_shared>> -> memref<10240x128xf32, #tpu.memory_space<vmem_shared>>
          tpu.wait_indirect_dma semaphore(%run_scoped3A_172 : memref<!tpu.dma_semaphore, #tpu.memory_space<semaphore_mem>>) src(%dma_wait3A_186 : memref<128x128xf32, #tpu.memory_space<vmem>>) dst(%dma_wait3A_192 : memref<10240x128xf32, #tpu.memory_space<vmem_shared>>)
          tpu.yield
        }) : () -> ()
        %add3A_154 = arith.addi %mul3A_25, %add3A_135 : i32
        %add3A_155 = arith.constant 2 : i32
        %add3A_156 = arith.addi %add3A_154, %add3A_155 : i32
        %run_scoped3A_157 = arith.constant 1 : i32
        "tpu.region"() ({
          %run_scoped3A_172 = tpu.sem_alloc : memref<!tpu.dma_semaphore, #tpu.memory_space<semaphore_mem>>
          %dma_start3A_173 = arith.constant 0 : i32
          %dma_start3A_174 = arith.constant 0 : i32
          %dma_start3A_175 = tpu.memref_slice %arg5[%run_scoped3A_157, %dma_start3A_173, %dma_start3A_174] : memref<2x2x128xi32, #tpu.memory_space<vmem>> -> memref<1x2x128xi32, #tpu.memory_space<vmem>>
          %dma_start3A_176 = tpu.memref_squeeze %dma_start3A_175 : memref<1x2x128xi32, #tpu.memory_space<vmem>> -> memref<2x128xi32, #tpu.memory_space<vmem>>
          %dma_start3A_177 = arith.constant 0 : i32
          %dma_start3A_178 = arith.constant 0 : i32
          %dma_start3A_179 = tpu.memref_slice %arg3[%add3A_156, %dma_start3A_177, %dma_start3A_178] : memref<2514x2x128xi32, #tpu.memory_space<hbm>> -> memref<1x2x128xi32, #tpu.memory_space<hbm>>
          %dma_start3A_180 = tpu.memref_squeeze %dma_start3A_179 : memref<1x2x128xi32, #tpu.memory_space<hbm>> -> memref<2x128xi32, #tpu.memory_space<hbm>>
          %dma_start3A_181 = arith.constant 0 : i32
          %dma_start3A_182 = arith.constant 0 : i32
          %dma_start3A_183 = tpu.memref_slice %arg5[%run_scoped3A_157, %dma_start3A_181, %dma_start3A_182] : memref<2x2x128xi32, #tpu.memory_space<vmem>> -> memref<1x2x128xi32, #tpu.memory_space<vmem>>
          %dma_start3A_184 = tpu.memref_squeeze %dma_start3A_183 : memref<1x2x128xi32, #tpu.memory_space<vmem>> -> memref<2x128xi32, #tpu.memory_space<vmem>>
          %dma_start3A_185 = arith.constant 0 : i32
          %dma_start3A_186 = arith.constant 0 : i32
          %dma_start3A_187 = tpu.memref_slice %arg3[%add3A_156, %dma_start3A_185, %dma_start3A_186] : memref<2514x2x128xi32, #tpu.memory_space<hbm>> -> memref<1x2x128xi32, #tpu.memory_space<hbm>>
          %dma_start3A_188 = tpu.memref_squeeze %dma_start3A_187 : memref<1x2x128xi32, #tpu.memory_space<hbm>> -> memref<2x128xi32, #tpu.memory_space<hbm>>
          tpu.enqueue_dma source(%dma_start3A_188 : memref<2x128xi32, #tpu.memory_space<hbm>>) target(%dma_start3A_184 : memref<2x128xi32, #tpu.memory_space<vmem>>) target_semaphore(%run_scoped3A_172 : memref<!tpu.dma_semaphore, #tpu.memory_space<semaphore_mem>>)
          %dma_wait3A_189 = arith.constant 0 : i32
          %dma_wait3A_190 = arith.constant 0 : i32
          %dma_wait3A_191 = tpu.memref_slice %arg5[%run_scoped3A_157, %dma_wait3A_189, %dma_wait3A_190] : memref<2x2x128xi32, #tpu.memory_space<vmem>> -> memref<1x2x128xi32, #tpu.memory_space<vmem>>
          %dma_wait3A_192 = tpu.memref_squeeze %dma_wait3A_191 : memref<1x2x128xi32, #tpu.memory_space<vmem>> -> memref<2x128xi32, #tpu.memory_space<vmem>>
          %dma_wait3A_193 = arith.constant 0 : i32
          %dma_wait3A_194 = arith.constant 0 : i32
          %dma_wait3A_195 = tpu.memref_slice %arg3[%add3A_156, %dma_wait3A_193, %dma_wait3A_194] : memref<2514x2x128xi32, #tpu.memory_space<hbm>> -> memref<1x2x128xi32, #tpu.memory_space<hbm>>
          %dma_wait3A_196 = tpu.memref_squeeze %dma_wait3A_195 : memref<1x2x128xi32, #tpu.memory_space<hbm>> -> memref<2x128xi32, #tpu.memory_space<hbm>>
          %dma_wait3A_197 = arith.constant 0 : i32
          %dma_wait3A_198 = arith.constant 0 : i32
          %dma_wait3A_199 = tpu.memref_slice %arg5[%run_scoped3A_157, %dma_wait3A_197, %dma_wait3A_198] : memref<2x2x128xi32, #tpu.memory_space<vmem>> -> memref<1x2x128xi32, #tpu.memory_space<vmem>>
          %dma_wait3A_200 = tpu.memref_squeeze %dma_wait3A_199 : memref<1x2x128xi32, #tpu.memory_space<vmem>> -> memref<2x128xi32, #tpu.memory_space<vmem>>
          %dma_wait3A_201 = arith.constant 0 : i32
          %dma_wait3A_202 = arith.constant 0 : i32
          %dma_wait3A_203 = tpu.memref_slice %arg3[%add3A_156, %dma_wait3A_201, %dma_wait3A_202] : memref<2514x2x128xi32, #tpu.memory_space<hbm>> -> memref<1x2x128xi32, #tpu.memory_space<hbm>>
          %dma_wait3A_204 = tpu.memref_squeeze %dma_wait3A_203 : memref<1x2x128xi32, #tpu.memory_space<hbm>> -> memref<2x128xi32, #tpu.memory_space<hbm>>
          tpu.wait_dma2 semaphore(%run_scoped3A_172 : memref<!tpu.dma_semaphore, #tpu.memory_space<semaphore_mem>>) src(%dma_wait3A_204 : memref<2x128xi32, #tpu.memory_space<hbm>>) dst(%dma_wait3A_200 : memref<2x128xi32, #tpu.memory_space<vmem>>)
          tpu.yield
        }) : () -> ()
        %dma_start3A_158 = arith.constant 1 : i32
        %dma_start3A_159 = arith.constant 0 : i32
        %dma_start3A_160 = arith.constant 1 : i32
        %dma_start3A_161 = arith.constant 0 : i32
        %dma_start3A_162 = arith.constant 0 : i32
        %dma_start3A_163 = tpu.memref_slice %arg6[%dma_start3A_160, %dma_start3A_161, %dma_start3A_162] : memref<2x128x128xf32, #tpu.memory_space<vmem>> -> memref<1x128x128xf32, #tpu.memory_space<vmem>>
        %dma_start3A_164 = tpu.memref_squeeze %dma_start3A_163 : memref<1x128x128xf32, #tpu.memory_space<vmem>> -> memref<128x128xf32, #tpu.memory_space<vmem>>
        %dma_start3A_165 = arith.constant 0 : i32
        %dma_start3A_166 = tpu.memref_slice %arg5[%dma_start3A_158, %dma_start3A_159, %dma_start3A_165] : memref<2x2x128xi32, #tpu.memory_space<vmem>> -> memref<1x1x128xi32, #tpu.memory_space<vmem>>
        %dma_start3A_167 = tpu.memref_squeeze %dma_start3A_166 : memref<1x1x128xi32, #tpu.memory_space<vmem>> -> memref<128xi32, #tpu.memory_space<vmem>>
        %dma_start3A_168 = arith.constant 0 : i32
        %dma_start3A_169 = arith.constant 0 : i32
        %dma_start3A_170 = tpu.memref_slice %arg2[%dma_start3A_168, %dma_start3A_169] : memref<10000x128xf32, #tpu.memory_space<hbm>> -> memref<10000x128xf32, #tpu.memory_space<hbm>>
        tpu.enqueue_indirect_dma source(%dma_start3A_170 : memref<10000x128xf32, #tpu.memory_space<hbm>>) target(%dma_start3A_164 : memref<128x128xf32, #tpu.memory_space<vmem>>) offsets(%dma_start3A_167 : memref<128xi32, #tpu.memory_space<vmem>>) semaphore(%arg9 : memref<!tpu.dma_semaphore, #tpu.memory_space<semaphore_mem>>)
        %scan3A_171 = arith.constant 0 : i32
        scf.yield %scan3A_171 : i32
      }
      %scan3A_61 = arith.constant 59 : i32
      %dma_wait3A = arith.constant 0 : i32
      %dma_wait3A_62 = arith.constant 0 : i32
      %dma_wait3A_63 = arith.constant 0 : i32
      %dma_wait3A_64 = tpu.memref_slice %arg6[%dma_wait3A, %dma_wait3A_62, %dma_wait3A_63] : memref<2x128x128xf32, #tpu.memory_space<vmem>> -> memref<1x128x128xf32, #tpu.memory_space<vmem>>
      %dma_wait3A_65 = tpu.memref_squeeze %dma_wait3A_64 : memref<1x128x128xf32, #tpu.memory_space<vmem>> -> memref<128x128xf32, #tpu.memory_space<vmem>>
      %dma_wait3A_66 = arith.constant 0 : i32
      %dma_wait3A_67 = arith.constant 0 : i32
      %dma_wait3A_68 = tpu.memref_slice %arg2[%dma_wait3A_66, %dma_wait3A_67] : memref<10000x128xf32, #tpu.memory_space<hbm>> -> memref<128x128xf32, #tpu.memory_space<hbm>>
      %dma_wait3A_69 = arith.constant 0 : i32
      %dma_wait3A_70 = arith.constant 0 : i32
      %dma_wait3A_71 = tpu.memref_slice %arg6[%dma_wait3A, %dma_wait3A_69, %dma_wait3A_70] : memref<2x128x128xf32, #tpu.memory_space<vmem>> -> memref<1x128x128xf32, #tpu.memory_space<vmem>>
      %dma_wait3A_72 = tpu.memref_squeeze %dma_wait3A_71 : memref<1x128x128xf32, #tpu.memory_space<vmem>> -> memref<128x128xf32, #tpu.memory_space<vmem>>
      %dma_wait3A_73 = arith.constant 0 : i32
      %dma_wait3A_74 = arith.constant 0 : i32
      %dma_wait3A_75 = tpu.memref_slice %arg2[%dma_wait3A_73, %dma_wait3A_74] : memref<10000x128xf32, #tpu.memory_space<hbm>> -> memref<128x128xf32, #tpu.memory_space<hbm>>
      tpu.wait_dma2 semaphore(%arg8 : memref<!tpu.dma_semaphore, #tpu.memory_space<semaphore_mem>>) src(%dma_wait3A_75 : memref<128x128xf32, #tpu.memory_space<hbm>>) dst(%dma_wait3A_72 : memref<128x128xf32, #tpu.memory_space<vmem>>)
      %dma_wait3A_76 = arith.constant 1 : i32
      %dma_wait3A_77 = arith.constant 0 : i32
      %dma_wait3A_78 = arith.constant 0 : i32
      %dma_wait3A_79 = tpu.memref_slice %arg6[%dma_wait3A_76, %dma_wait3A_77, %dma_wait3A_78] : memref<2x128x128xf32, #tpu.memory_space<vmem>> -> memref<1x128x128xf32, #tpu.memory_space<vmem>>
      %dma_wait3A_80 = tpu.memref_squeeze %dma_wait3A_79 : memref<1x128x128xf32, #tpu.memory_space<vmem>> -> memref<128x128xf32, #tpu.memory_space<vmem>>
      %dma_wait3A_81 = arith.constant 0 : i32
      %dma_wait3A_82 = arith.constant 0 : i32
      %dma_wait3A_83 = tpu.memref_slice %arg2[%dma_wait3A_81, %dma_wait3A_82] : memref<10000x128xf32, #tpu.memory_space<hbm>> -> memref<128x128xf32, #tpu.memory_space<hbm>>
      %dma_wait3A_84 = arith.constant 0 : i32
      %dma_wait3A_85 = arith.constant 0 : i32
      %dma_wait3A_86 = tpu.memref_slice %arg6[%dma_wait3A_76, %dma_wait3A_84, %dma_wait3A_85] : memref<2x128x128xf32, #tpu.memory_space<vmem>> -> memref<1x128x128xf32, #tpu.memory_space<vmem>>
      %dma_wait3A_87 = tpu.memref_squeeze %dma_wait3A_86 : memref<1x128x128xf32, #tpu.memory_space<vmem>> -> memref<128x128xf32, #tpu.memory_space<vmem>>
      %dma_wait3A_88 = arith.constant 0 : i32
      %dma_wait3A_89 = arith.constant 0 : i32
      %dma_wait3A_90 = tpu.memref_slice %arg2[%dma_wait3A_88, %dma_wait3A_89] : memref<10000x128xf32, #tpu.memory_space<hbm>> -> memref<128x128xf32, #tpu.memory_space<hbm>>
      tpu.wait_dma2 semaphore(%arg9 : memref<!tpu.dma_semaphore, #tpu.memory_space<semaphore_mem>>) src(%dma_wait3A_90 : memref<128x128xf32, #tpu.memory_space<hbm>>) dst(%dma_wait3A_87 : memref<128x128xf32, #tpu.memory_space<vmem>>)
    } else {
    }
    %ne3A = arith.constant 0 : i32
    %ne3A_16 = arith.cmpi ne, %arg0, %ne3A : i32
    %convert_element_type3A_17 = arith.extui %ne3A_16 : i1 to i32
    %cond3A_18 = arith.constant 0 : i32
    %cond3A_19 = arith.cmpi ne, %convert_element_type3A_17, %cond3A_18 : i32
    scf.if %cond3A_19 {
      %mul3A_24 = arith.constant 39 : i32
      %mul3A_25 = arith.muli %arg1, %mul3A_24 : i32
      %add3A = arith.constant 1888 : i32
      %add3A_26 = arith.addi %add3A, %mul3A_25 : i32
      %scan3A_27 = arith.constant 0 : i32
      %scan3A_28 = arith.constant 0 : i32
      %scan3A_29 = arith.constant 39 : i32
      %scan3A_30 = arith.addi %scan3A_28, %scan3A_29 : i32
      %scan3A_31 = arith.constant 1 : i32
      %scan3A_32 = scf.for %scan3A_34 = %scan3A_28 to %scan3A_30 step %scan3A_31 iter_args(%scan3A_35 = %scan3A_27) -> (i32)  : i32 {
        %add3A_36 = arith.addi %add3A_26, %scan3A_34 : i32
        %run_scoped3A = arith.constant 0 : i32
        "tpu.region"() ({
          %run_scoped3A_65 = tpu.sem_alloc : memref<!tpu.dma_semaphore, #tpu.memory_space<semaphore_mem>>
          %dma_start3A_66 = arith.constant 0 : i32
          %dma_start3A_67 = arith.constant 0 : i32
          %dma_start3A_68 = tpu.memref_slice %arg5[%run_scoped3A, %dma_start3A_66, %dma_start3A_67] : memref<2x2x128xi32, #tpu.memory_space<vmem>> -> memref<1x2x128xi32, #tpu.memory_space<vmem>>
          %dma_start3A_69 = tpu.memref_squeeze %dma_start3A_68 : memref<1x2x128xi32, #tpu.memory_space<vmem>> -> memref<2x128xi32, #tpu.memory_space<vmem>>
          %dma_start3A_70 = arith.constant 0 : i32
          %dma_start3A_71 = arith.constant 0 : i32
          %dma_start3A_72 = tpu.memref_slice %arg3[%add3A_36, %dma_start3A_70, %dma_start3A_71] : memref<2514x2x128xi32, #tpu.memory_space<hbm>> -> memref<1x2x128xi32, #tpu.memory_space<hbm>>
          %dma_start3A_73 = tpu.memref_squeeze %dma_start3A_72 : memref<1x2x128xi32, #tpu.memory_space<hbm>> -> memref<2x128xi32, #tpu.memory_space<hbm>>
          %dma_start3A_74 = arith.constant 0 : i32
          %dma_start3A_75 = arith.constant 0 : i32
          %dma_start3A_76 = tpu.memref_slice %arg5[%run_scoped3A, %dma_start3A_74, %dma_start3A_75] : memref<2x2x128xi32, #tpu.memory_space<vmem>> -> memref<1x2x128xi32, #tpu.memory_space<vmem>>
          %dma_start3A_77 = tpu.memref_squeeze %dma_start3A_76 : memref<1x2x128xi32, #tpu.memory_space<vmem>> -> memref<2x128xi32, #tpu.memory_space<vmem>>
          %dma_start3A_78 = arith.constant 0 : i32
          %dma_start3A_79 = arith.constant 0 : i32
          %dma_start3A_80 = tpu.memref_slice %arg3[%add3A_36, %dma_start3A_78, %dma_start3A_79] : memref<2514x2x128xi32, #tpu.memory_space<hbm>> -> memref<1x2x128xi32, #tpu.memory_space<hbm>>
          %dma_start3A_81 = tpu.memref_squeeze %dma_start3A_80 : memref<1x2x128xi32, #tpu.memory_space<hbm>> -> memref<2x128xi32, #tpu.memory_space<hbm>>
          tpu.enqueue_dma source(%dma_start3A_81 : memref<2x128xi32, #tpu.memory_space<hbm>>) target(%dma_start3A_77 : memref<2x128xi32, #tpu.memory_space<vmem>>) target_semaphore(%run_scoped3A_65 : memref<!tpu.dma_semaphore, #tpu.memory_space<semaphore_mem>>)
          %dma_wait3A_82 = arith.constant 0 : i32
          %dma_wait3A_83 = arith.constant 0 : i32
          %dma_wait3A_84 = tpu.memref_slice %arg5[%run_scoped3A, %dma_wait3A_82, %dma_wait3A_83] : memref<2x2x128xi32, #tpu.memory_space<vmem>> -> memref<1x2x128xi32, #tpu.memory_space<vmem>>
          %dma_wait3A_85 = tpu.memref_squeeze %dma_wait3A_84 : memref<1x2x128xi32, #tpu.memory_space<vmem>> -> memref<2x128xi32, #tpu.memory_space<vmem>>
          %dma_wait3A_86 = arith.constant 0 : i32
          %dma_wait3A_87 = arith.constant 0 : i32
          %dma_wait3A_88 = tpu.memref_slice %arg3[%add3A_36, %dma_wait3A_86, %dma_wait3A_87] : memref<2514x2x128xi32, #tpu.memory_space<hbm>> -> memref<1x2x128xi32, #tpu.memory_space<hbm>>
          %dma_wait3A_89 = tpu.memref_squeeze %dma_wait3A_88 : memref<1x2x128xi32, #tpu.memory_space<hbm>> -> memref<2x128xi32, #tpu.memory_space<hbm>>
          %dma_wait3A_90 = arith.constant 0 : i32
          %dma_wait3A_91 = arith.constant 0 : i32
          %dma_wait3A_92 = tpu.memref_slice %arg5[%run_scoped3A, %dma_wait3A_90, %dma_wait3A_91] : memref<2x2x128xi32, #tpu.memory_space<vmem>> -> memref<1x2x128xi32, #tpu.memory_space<vmem>>
          %dma_wait3A_93 = tpu.memref_squeeze %dma_wait3A_92 : memref<1x2x128xi32, #tpu.memory_space<vmem>> -> memref<2x128xi32, #tpu.memory_space<vmem>>
          %dma_wait3A_94 = arith.constant 0 : i32
          %dma_wait3A_95 = arith.constant 0 : i32
          %dma_wait3A_96 = tpu.memref_slice %arg3[%add3A_36, %dma_wait3A_94, %dma_wait3A_95] : memref<2514x2x128xi32, #tpu.memory_space<hbm>> -> memref<1x2x128xi32, #tpu.memory_space<hbm>>
          %dma_wait3A_97 = tpu.memref_squeeze %dma_wait3A_96 : memref<1x2x128xi32, #tpu.memory_space<hbm>> -> memref<2x128xi32, #tpu.memory_space<hbm>>
          tpu.wait_dma2 semaphore(%run_scoped3A_65 : memref<!tpu.dma_semaphore, #tpu.memory_space<semaphore_mem>>) src(%dma_wait3A_97 : memref<2x128xi32, #tpu.memory_space<hbm>>) dst(%dma_wait3A_93 : memref<2x128xi32, #tpu.memory_space<vmem>>)
          tpu.yield
        }) : () -> ()
        %dma_start3A = arith.constant 0 : i32
        %dma_start3A_37 = arith.constant 0 : i32
        %dma_start3A_38 = arith.constant 0 : i32
        %dma_start3A_39 = arith.constant 0 : i32
        %dma_start3A_40 = arith.constant 0 : i32
        %dma_start3A_41 = tpu.memref_slice %arg6[%dma_start3A_38, %dma_start3A_39, %dma_start3A_40] : memref<2x128x128xf32, #tpu.memory_space<vmem>> -> memref<1x128x128xf32, #tpu.memory_space<vmem>>
        %dma_start3A_42 = tpu.memref_squeeze %dma_start3A_41 : memref<1x128x128xf32, #tpu.memory_space<vmem>> -> memref<128x128xf32, #tpu.memory_space<vmem>>
        %dma_start3A_43 = arith.constant 0 : i32
        %dma_start3A_44 = tpu.memref_slice %arg5[%dma_start3A, %dma_start3A_37, %dma_start3A_43] : memref<2x2x128xi32, #tpu.memory_space<vmem>> -> memref<1x1x128xi32, #tpu.memory_space<vmem>>
        %dma_start3A_45 = tpu.memref_squeeze %dma_start3A_44 : memref<1x1x128xi32, #tpu.memory_space<vmem>> -> memref<128xi32, #tpu.memory_space<vmem>>
        %dma_start3A_46 = arith.constant 0 : i32
        %dma_start3A_47 = arith.constant 0 : i32
        %dma_start3A_48 = tpu.memref_slice %arg2[%dma_start3A_46, %dma_start3A_47] : memref<10000x128xf32, #tpu.memory_space<hbm>> -> memref<10000x128xf32, #tpu.memory_space<hbm>>
        tpu.enqueue_indirect_dma source(%dma_start3A_48 : memref<10000x128xf32, #tpu.memory_space<hbm>>) target(%dma_start3A_42 : memref<128x128xf32, #tpu.memory_space<vmem>>) offsets(%dma_start3A_45 : memref<128xi32, #tpu.memory_space<vmem>>) semaphore(%arg8 : memref<!tpu.dma_semaphore, #tpu.memory_space<semaphore_mem>>)
        %dma_wait3A = arith.constant 0 : i32
        %dma_wait3A_49 = arith.constant 0 : i32
        %dma_wait3A_50 = arith.constant 0 : i32
        %dma_wait3A_51 = arith.constant 0 : i32
        %dma_wait3A_52 = arith.constant 0 : i32
        %dma_wait3A_53 = tpu.memref_slice %arg6[%dma_wait3A_50, %dma_wait3A_51, %dma_wait3A_52] : memref<2x128x128xf32, #tpu.memory_space<vmem>> -> memref<1x128x128xf32, #tpu.memory_space<vmem>>
        %dma_wait3A_54 = tpu.memref_squeeze %dma_wait3A_53 : memref<1x128x128xf32, #tpu.memory_space<vmem>> -> memref<128x128xf32, #tpu.memory_space<vmem>>
        %dma_wait3A_55 = arith.constant 0 : i32
        %dma_wait3A_56 = tpu.memref_slice %arg5[%dma_wait3A, %dma_wait3A_49, %dma_wait3A_55] : memref<2x2x128xi32, #tpu.memory_space<vmem>> -> memref<1x1x128xi32, #tpu.memory_space<vmem>>
        %dma_wait3A_57 = tpu.memref_squeeze %dma_wait3A_56 : memref<1x1x128xi32, #tpu.memory_space<vmem>> -> memref<128xi32, #tpu.memory_space<vmem>>
        %dma_wait3A_58 = arith.constant 0 : i32
        %dma_wait3A_59 = arith.constant 0 : i32
        %dma_wait3A_60 = tpu.memref_slice %arg2[%dma_wait3A_58, %dma_wait3A_59] : memref<10000x128xf32, #tpu.memory_space<hbm>> -> memref<10000x128xf32, #tpu.memory_space<hbm>>
        tpu.wait_indirect_dma semaphore(%arg8 : memref<!tpu.dma_semaphore, #tpu.memory_space<semaphore_mem>>) src(%dma_wait3A_60 : memref<10000x128xf32, #tpu.memory_space<hbm>>) dst(%dma_wait3A_54 : memref<128x128xf32, #tpu.memory_space<vmem>>)
        %run_scoped3A_61 = arith.constant 0 : i32
        %run_scoped3A_62 = arith.constant 0 : i32
        %run_scoped3A_63 = arith.constant 1 : i32
        "tpu.region"() ({
          %run_scoped3A_65 = tpu.sem_alloc : memref<!tpu.dma_semaphore, #tpu.memory_space<semaphore_mem>>
          %dma_start3A_66 = arith.constant 0 : i32
          %dma_start3A_67 = arith.constant 0 : i32
          %dma_start3A_68 = tpu.memref_slice %arg6[%run_scoped3A_61, %dma_start3A_66, %dma_start3A_67] : memref<2x128x128xf32, #tpu.memory_space<vmem>> -> memref<1x128x128xf32, #tpu.memory_space<vmem>>
          %dma_start3A_69 = tpu.memref_squeeze %dma_start3A_68 : memref<1x128x128xf32, #tpu.memory_space<vmem>> -> memref<128x128xf32, #tpu.memory_space<vmem>>
          %dma_start3A_70 = arith.constant 0 : i32
          %dma_start3A_71 = tpu.memref_slice %arg5[%run_scoped3A_62, %run_scoped3A_63, %dma_start3A_70] : memref<2x2x128xi32, #tpu.memory_space<vmem>> -> memref<1x1x128xi32, #tpu.memory_space<vmem>>
          %dma_start3A_72 = tpu.memref_squeeze %dma_start3A_71 : memref<1x1x128xi32, #tpu.memory_space<vmem>> -> memref<128xi32, #tpu.memory_space<vmem>>
          %dma_start3A_73 = arith.constant 0 : i32
          %dma_start3A_74 = arith.constant 0 : i32
          %dma_start3A_75 = tpu.memref_slice %arg7[%dma_start3A_73, %dma_start3A_74] : memref<10240x128xf32, #tpu.memory_space<vmem_shared>> -> memref<10240x128xf32, #tpu.memory_space<vmem_shared>>
          tpu.enqueue_indirect_dma source(%dma_start3A_69 : memref<128x128xf32, #tpu.memory_space<vmem>>) target(%dma_start3A_75 : memref<10240x128xf32, #tpu.memory_space<vmem_shared>>) offsets(%dma_start3A_72 : memref<128xi32, #tpu.memory_space<vmem>>) semaphore(%run_scoped3A_65 : memref<!tpu.dma_semaphore, #tpu.memory_space<semaphore_mem>>) {add = true}
          %dma_wait3A_76 = arith.constant 0 : i32
          %dma_wait3A_77 = arith.constant 0 : i32
          %dma_wait3A_78 = tpu.memref_slice %arg6[%run_scoped3A_61, %dma_wait3A_76, %dma_wait3A_77] : memref<2x128x128xf32, #tpu.memory_space<vmem>> -> memref<1x128x128xf32, #tpu.memory_space<vmem>>
          %dma_wait3A_79 = tpu.memref_squeeze %dma_wait3A_78 : memref<1x128x128xf32, #tpu.memory_space<vmem>> -> memref<128x128xf32, #tpu.memory_space<vmem>>
          %dma_wait3A_80 = arith.constant 0 : i32
          %dma_wait3A_81 = tpu.memref_slice %arg5[%run_scoped3A_62, %run_scoped3A_63, %dma_wait3A_80] : memref<2x2x128xi32, #tpu.memory_space<vmem>> -> memref<1x1x128xi32, #tpu.memory_space<vmem>>
          %dma_wait3A_82 = tpu.memref_squeeze %dma_wait3A_81 : memref<1x1x128xi32, #tpu.memory_space<vmem>> -> memref<128xi32, #tpu.memory_space<vmem>>
          %dma_wait3A_83 = arith.constant 0 : i32
          %dma_wait3A_84 = arith.constant 0 : i32
          %dma_wait3A_85 = tpu.memref_slice %arg7[%dma_wait3A_83, %dma_wait3A_84] : memref<10240x128xf32, #tpu.memory_space<vmem_shared>> -> memref<10240x128xf32, #tpu.memory_space<vmem_shared>>
          tpu.wait_indirect_dma semaphore(%run_scoped3A_65 : memref<!tpu.dma_semaphore, #tpu.memory_space<semaphore_mem>>) src(%dma_wait3A_79 : memref<128x128xf32, #tpu.memory_space<vmem>>) dst(%dma_wait3A_85 : memref<10240x128xf32, #tpu.memory_space<vmem_shared>>)
          tpu.yield
        }) : () -> ()
        %scan3A_64 = arith.constant 0 : i32
        scf.yield %scan3A_64 : i32
      }
      %scan3A_33 = arith.constant 39 : i32
    } else {
    }
    %barrier3A_20 = arith.constant 0 : index
    tpu.barrier barrier_id(%barrier3A_20)
    "tpu.trace_stop"() : () -> ()
    "tpu.trace_start"() <{level = 10 : i32, message = "copy_out"}> : () -> ()
    %mul3A = arith.constant 640 : i32
    %mul3A_21 = arith.muli %arg1, %mul3A : i32
    %mul3A_22 = arith.constant 640 : i32
    %mul3A_23 = arith.muli %arg1, %mul3A_22 : i32
    "tpu.region"() ({
      %run_scoped3A = tpu.sem_alloc : memref<!tpu.dma_semaphore, #tpu.memory_space<semaphore_mem>>
      %dma_start3A = arith.constant 0 : i32
      %dma_start3A_24 = tpu.memref_slice %arg4[%arg0, %mul3A_23, %dma_start3A] : memref<2x10240x128xf32, #tpu.memory_space<hbm>> -> memref<1x640x128xf32, #tpu.memory_space<hbm>>
      %dma_start3A_25 = tpu.memref_squeeze %dma_start3A_24 : memref<1x640x128xf32, #tpu.memory_space<hbm>> -> memref<640x128xf32, #tpu.memory_space<hbm>>
      %dma_start3A_26 = arith.constant 0 : i32
      %dma_start3A_27 = tpu.memref_slice %arg7[%mul3A_21, %dma_start3A_26] : memref<10240x128xf32, #tpu.memory_space<vmem_shared>> -> memref<640x128xf32, #tpu.memory_space<vmem_shared>>
      tpu.enqueue_dma source(%dma_start3A_27 : memref<640x128xf32, #tpu.memory_space<vmem_shared>>) target(%dma_start3A_25 : memref<640x128xf32, #tpu.memory_space<hbm>>) target_semaphore(%run_scoped3A : memref<!tpu.dma_semaphore, #tpu.memory_space<semaphore_mem>>)
      %dma_wait3A = arith.constant 0 : i32
      %dma_wait3A_28 = tpu.memref_slice %arg4[%arg0, %mul3A_23, %dma_wait3A] : memref<2x10240x128xf32, #tpu.memory_space<hbm>> -> memref<1x640x128xf32, #tpu.memory_space<hbm>>
      %dma_wait3A_29 = tpu.memref_squeeze %dma_wait3A_28 : memref<1x640x128xf32, #tpu.memory_space<hbm>> -> memref<640x128xf32, #tpu.memory_space<hbm>>
      %dma_wait3A_30 = arith.constant 0 : i32
      %dma_wait3A_31 = tpu.memref_slice %arg7[%mul3A_21, %dma_wait3A_30] : memref<10240x128xf32, #tpu.memory_space<vmem_shared>> -> memref<640x128xf32, #tpu.memory_space<vmem_shared>>
      tpu.wait_dma2 semaphore(%run_scoped3A : memref<!tpu.dma_semaphore, #tpu.memory_space<semaphore_mem>>) src(%dma_wait3A_31 : memref<640x128xf32, #tpu.memory_space<vmem_shared>>) dst(%dma_wait3A_29 : memref<640x128xf32, #tpu.memory_space<hbm>>)
      tpu.yield
    }) : () -> ()
    "tpu.trace_stop"() : () -> ()
    return
  }
}

module attributes {stable_mosaic.version = 14 : i64} {
  func.func @_tc_body(%arg0: i32, %arg1: memref<2x1000x128xf32, #tpu.memory_space<vmem>>, %arg2: memref<1000x128xf32, #tpu.memory_space<vmem>>, %arg3: memref<128x128xf32, #tpu.memory_space<vmem>>, %arg4: memref<1000x128xf32, #tpu.memory_space<vmem>>) attributes {dimension_semantics = [#tpu.dimension_semantics<arbitrary>], iteration_bounds = array<i64: 10>, scalar_prefetch = 0 : i64, scratch_operands = 0 : i64, tpu.core_type = #tpu.core_type<tc>, window_params = [{transform_indices = @transform_0, window_bounds = array<i64: 2, 1000, 128>}, {transform_indices = @transform_1, window_bounds = array<i64: 1000, 128>}, {pipeline_mode = #tpu.pipeline_mode<synchronous>, transform_indices = @transform_2, window_bounds = array<i64: 128, 128>}, {transform_indices = @transform_3, window_bounds = array<i64: 1000, 128>}]} {
    %get3A = arith.constant 0 : index
    %get3A_0 = arith.constant 0 : index
    %get3A_1 = arith.constant 0 : index
    %get3A_2 = vector.load %arg1[%get3A, %get3A_0, %get3A_1] : memref<2x1000x128xf32, #tpu.memory_space<vmem>>, vector<1x1000x128xf32>
    %get3A_3 = vector.shape_cast %get3A_2 : vector<1x1000x128xf32> to vector<1000x128xf32>
    %get3A_4 = arith.constant 1 : index
    %get3A_5 = arith.constant 0 : index
    %get3A_6 = arith.constant 0 : index
    %get3A_7 = vector.load %arg1[%get3A_4, %get3A_5, %get3A_6] : memref<2x1000x128xf32, #tpu.memory_space<vmem>>, vector<1x1000x128xf32>
    %get3A_8 = vector.shape_cast %get3A_7 : vector<1x1000x128xf32> to vector<1000x128xf32>
    %add3A = arith.addf %get3A_3, %get3A_8 : vector<1000x128xf32>
    %mul3A = arith.constant 1.000000e-01 : f32
    %mul3A_9 = vector.broadcast %mul3A : f32 to vector<1000x128xf32>
    %mul3A_10 = arith.mulf %add3A, %mul3A_9 : vector<1000x128xf32>
    %jit3A = arith.constant -1.000000e+06 : f32
    %jit3A_11 = arith.constant 1.000000e+06 : f32
    %max3A = vector.broadcast %jit3A : f32 to vector<1000x128xf32>
    %max3A_12 = arith.maximumf %max3A, %mul3A_10 : vector<1000x128xf32>
    %min3A = vector.broadcast %jit3A_11 : f32 to vector<1000x128xf32>
    %min3A_13 = arith.minimumf %min3A, %max3A_12 : vector<1000x128xf32>
    %get3A_14 = arith.constant 0 : index
    %get3A_15 = arith.constant 0 : index
    %get3A_16 = vector.load %arg2[%get3A_14, %get3A_15] : memref<1000x128xf32, #tpu.memory_space<vmem>>, vector<1000x128xf32>
    %mul3A_17 = arith.constant 1.000000e-01 : f32
    %mul3A_18 = vector.broadcast %mul3A_17 : f32 to vector<1000x128xf32>
    %mul3A_19 = arith.mulf %get3A_16, %mul3A_18 : vector<1000x128xf32>
    %jit3A_20 = arith.constant -1.000000e+06 : f32
    %jit3A_21 = arith.constant 1.000000e+06 : f32
    %max3A_22 = vector.broadcast %jit3A_20 : f32 to vector<1000x128xf32>
    %max3A_23 = arith.maximumf %max3A_22, %mul3A_19 : vector<1000x128xf32>
    %min3A_24 = vector.broadcast %jit3A_21 : f32 to vector<1000x128xf32>
    %min3A_25 = arith.minimumf %min3A_24, %max3A_23 : vector<1000x128xf32>
    %add3A_26 = arith.addf %min3A_13, %min3A_25 : vector<1000x128xf32>
    %jit3A_27 = arith.constant -1.000000e+06 : f32
    %jit3A_28 = arith.constant 1.000000e+06 : f32
    %max3A_29 = vector.broadcast %jit3A_27 : f32 to vector<1000x128xf32>
    %max3A_30 = arith.maximumf %max3A_29, %add3A_26 : vector<1000x128xf32>
    %min3A_31 = vector.broadcast %jit3A_28 : f32 to vector<1000x128xf32>
    %min3A_32 = arith.minimumf %min3A_31, %max3A_30 : vector<1000x128xf32>
    %get3A_33 = arith.constant 0 : index
    %get3A_34 = arith.constant 0 : index
    %get3A_35 = vector.load %arg3[%get3A_33, %get3A_34] : memref<128x128xf32, #tpu.memory_space<vmem>>, vector<128x128xf32>
    %dot_general3A = arith.constant dense<0.000000e+00> : vector<1000x128xf32>
    %dot_general3A_36 = tpu.matmul %min3A_32, %get3A_35, %dot_general3A {dimension_numbers = #tpu.dot_dimension_numbers<[1], [0], [0], [1], [0, 0, 1, 1], [], []>, precision = #tpu.contract_precision<fp32>, transpose_lhs_hint = false} : vector<1000x128xf32>, vector<128x128xf32>, vector<1000x128xf32> -> vector<1000x128xf32>
    %swap3A = arith.constant 0 : index
    %swap3A_37 = arith.constant 0 : index
    %swap3A_38 = vector.load %arg4[%swap3A, %swap3A_37] : memref<1000x128xf32, #tpu.memory_space<vmem>>, vector<1000x128xf32>
    tpu.vector_store %arg4[%swap3A, %swap3A_37], %dot_general3A_36 {strides = array<i32>} : memref<1000x128xf32, #tpu.memory_space<vmem>>, vector<1000x128xf32>,
    return
  }
  func.func @transform_0(%arg0: i32) -> (i32, i32, i32) {
    %c0_i32 = arith.constant 0 : i32
    %c0_i32_0 = arith.constant 0 : i32
    %c0_i32_1 = arith.constant 0 : i32
    return %c0_i32, %arg0, %c0_i32_0 : i32, i32, i32
  }
  func.func @transform_1(%arg0: i32) -> (i32, i32) {
    %c0_i32 = arith.constant 0 : i32
    %c0_i32_0 = arith.constant 0 : i32
    return %arg0, %c0_i32 : i32, i32
  }
  func.func @transform_2(%arg0: i32) -> (i32, i32) {
    %c0_i32 = arith.constant 0 : i32
    %c0_i32_0 = arith.constant 0 : i32
    %c0_i32_1 = arith.constant 0 : i32
    return %c0_i32, %c0_i32_0 : i32, i32
  }
  func.func @transform_3(%arg0: i32) -> (i32, i32) {
    %c0_i32 = arith.constant 0 : i32
    %c0_i32_0 = arith.constant 0 : i32
    return %arg0, %c0_i32 : i32, i32
  }
}

</mosaic_0001>

<sc_bundles>
// kernel: kernel.4.cloned.1.call-start
scs
__scs_entry_jumppad:
0x0: {  	(pc) =	sbr.rel $0x88, $3  }
0x1: {  	(tag) =	ssettag $0x0;
	lr =	simm.s32 $0x1  }
0x2: {  	[smem:$0x3F9E] =	sst lr;
	_ =	strace $0xD0000000  }
0x3: {  	_ = 	snop  }
0x4: {  	_ = 	snop  }
0x5: {  	_ = 	snop  }
0x6: {  	_ = 	snop  }
0x7: {  	_ = 	snop  }
__scs_overlays_trampoline_lowered:
0x8: {  	[smem:$0x3FAD] =	sst s0  }
0x9: {  	[smem:$0x3FAE] =	sst s1  }
0xa: {  	[smem:$0x3FAF] =	sst s2  }
0xb: {  	[smem:$0x3FB0] =	sst s3  }
0xc: {  	[smem:$0x3FB1] =	sst s4  }
0xd: {  	[smem:$0x3FB2] =	sst s5  }
0xe: {  	[smem:$0x3FB3] =	sst s6  }
0xf: {  	[smem:$0x3FB4] =	sst s7  }
0x10: {  	[smem:$0x3FB5] =	sst s8  }
0x11: {  	[smem:$0x3FB6] =	sst s9;
	s0 =	simm.s32 @!p0 $0x0  }
0x12: {  	s1 =	sld [smem:$0x3F9C];
	s0 =	simm.s32 @p0 $0x1  }
0x13: {  	[smem:$0x3FB7] =	sst s0;
	s0 =	simm.s32 @!p1 $0x0  }
0x14: {  	s2 =	sld [smem:$0x3F9B];
	s0 =	simm.s32 @p1 $0x1  }
0x15: {  	[smem:$0x3FB8] =	sst s0;
	s0 =	simm.s32 @!p2 $0x0  }
0x16: {  	s3 =	sld [smem:$0x3FDB];
	s0 =	simm.s32 @p2 $0x1  }
0x17: {  	s4 =	simm.s32 $0x1BF5;
	[smem:$0x3FBA] =	sst s0  }
0x18: {  	s0 =	sld [smem:$0x3F9D];
	_ =	swait.ge [sflag:s4], $0x0  }
0x19: {  	s7 =	sld [smem:$0x3F9E]  }
0x1a: {  	s8 =	sadd.s32 $0xFFFFE003, lr  }
0x1b: {  	s9 =	sadd.s32 $0xFFFFFEF7, lr;
	s5 =	simm.s32 $0xFFFFFFFF;
	p2 =	slt.u32 s8, $0xFFFFF086  }
0x1c: {  	p1 =	slt.u32 s9, $0xF7A;
	s5 =	simm.s32 @!p2 $0x0  }
0x1d: {  	s5 =	simm.s32 @p1 $0x1;
	p0 =	seq.s32 s7, s2  }
0x1e: {  	s7 =	smul.u32 @!p0 $0xF7A, s2;
	p2 =	seq.s32 @!p0 s5, $0x0  }
0x1f: {  	s9 =	smul.u32 $0xF7A, s1;
	s8 =	simm.s32 @!p0 $0x1BF5;
	p2 =	por !p2, p0  }
0x20: {  	[sflag:s8] =	ssyncset.s32 @!p0 $0xFFFFF086;
	s6 =	sadd.s32 @!p0 s3, s7;
	s7 =	simm.s32 @!p0 $0x108  }
0x21: {  	s3 =	sadd.s32 s3, s9;
	s6 =	sadd.s32 @!p0 $0x88, s6;
	s7 =	simm.s32 @p2 $0x1082  }
0x22: {  	[simem:s7], [sflag:s8] =	dma.local @!p0 [hbm:s6], $0xF7A  }
0x23: {  	s9 =	sor.u32 $0xD0000000, s2;
	s6 =	simm.s32 $0x108;
	_ =	swait.ge @!p0 [sflag:s8], $0x0  }
0x24: {  	s3 =	sadd.s32 $0x88, s3;
	s6 =	simm.s32 @!p1 $0x1082;
	[sflag:s4] =	ssyncset.s32 $0xFFFFF086  }
0x25: {  	[simem:s6], [sflag:s4] =	dma.local [hbm:s3], $0xF7A  }
0x26: {  	[smem:$0x3F9E] =	sst s1;
	(tag) =	ssettag s2;
	_ =	strace s9  }
0x27: {  	s1 =	sld [smem:$0x3FAE]  }
0x28: {  	s2 =	sld [smem:$0x3FAF]  }
0x29: {  	s4 =	sld [smem:$0x3FB1]  }
0x2a: {  	p0 =	seq.s32 s5, $0x0;
	s5 =	sld [smem:$0x3FB2]  }
0x2b: {  	s6 =	sld [smem:$0x3FB3]  }
0x2c: {  	s7 =	sld [smem:$0x3FB4]  }
0x2d: {  	s3 =	simm.s32 $0x108;
	s8 =	sld [smem:$0x3FB5]  }
0x2e: {  	s3 =	simm.s32 @!p0 $0x1082;
	s9 =	sld [smem:$0x3FB6]  }
0x2f: {  	lr =	sadd.s32 s0, s3;
	s0 =	sld [smem:$0x3FAD]  }
0x30: {  	s3 =	sld [smem:$0x3FB0]  }
0x31: {  	[smem:$0x3FB9] =	sst s10  }
0x32: {  	s10 =	sld [smem:$0x3FB7];
	_ =	sdelay $0x3  }
0x33: {  	p0 =	seq.s32 s10, $0x1;
	s10 =	sld [smem:$0x3FB9];
	_ =	sdelay $0x3  }
0x34: {  	[smem:$0x3FB9] =	sst s10  }
0x35: {  	s10 =	sld [smem:$0x3FB8];
	_ =	sdelay $0x3  }
0x36: {  	p1 =	seq.s32 s10, $0x1;
	s10 =	sld [smem:$0x3FB9];
	_ =	sdelay $0x3  }
0x37: {  	[smem:$0x3FB9] =	sst s10  }
0x38: {  	s10 =	sld [smem:$0x3FBA]  }
0x39: {  	_ = 	snop;
	(pc) =	sbr.ind lr, $3  }
0x3a: {  	_ = 	snop  }
0x3b: {  	_ = 	snop  }
0x3c: {  	p2 =	seq.s32 s10, $0x1;
	s10 =	sld [smem:$0x3FB9]  }
0x3d: {  	_ =	shalt  }
0x3e: {  	_ =	shalt  }
0x3f: {  	_ =	shalt  }
0x40: {  	_ =	shalt  }
0x41: {  	_ =	shalt  }
0x42: {  	_ =	shalt  }
0x43: {  	_ =	shalt  }
0x44: {  	_ =	shalt  }
0x45: {  	_ =	shalt  }
0x46: {  	_ =	shalt  }
0x47: {  	_ =	shalt  }
0x48: {  	_ =	shalt  }
0x49: {  	_ =	shalt  }
0x4a: {  	_ =	shalt  }
0x4b: {  	_ =	shalt  }
0x4c: {  	_ =	shalt  }
0x4d: {  	_ =	shalt  }
0x4e: {  	_ =	shalt  }
0x4f: {  	_ =	shalt  }
0x50: {  	_ =	shalt  }
0x51: {  	_ =	shalt  }
0x52: {  	_ =	shalt  }
0x53: {  	_ =	shalt  }
0x54: {  	_ =	shalt  }
0x55: {  	_ =	shalt  }
0x56: {  	_ =	shalt  }
0x57: {  	_ =	shalt  }
0x58: {  	_ =	shalt  }
0x59: {  	_ =	shalt  }
0x5a: {  	_ =	shalt  }
0x5b: {  	_ =	shalt  }
0x5c: {  	_ =	shalt  }
0x5d: {  	_ =	shalt  }
0x5e: {  	_ =	shalt  }
0x5f: {  	_ =	shalt  }
0x60: {  	_ =	shalt  }
0x61: {  	_ =	shalt  }
0x62: {  	_ =	shalt  }
0x63: {  	_ =	shalt  }
0x64: {  	_ =	shalt  }
0x65: {  	_ =	shalt  }
0x66: {  	_ =	shalt  }
0x67: {  	_ =	shalt  }
0x68: {  	_ =	shalt  }
0x69: {  	_ =	shalt  }
0x6a: {  	_ =	shalt  }
0x6b: {  	_ =	shalt  }
0x6c: {  	_ =	shalt  }
0x6d: {  	_ =	shalt  }
0x6e: {  	_ =	shalt  }
0x6f: {  	_ =	shalt  }
0x70: {  	_ =	shalt  }
0x71: {  	_ =	shalt  }
0x72: {  	_ =	shalt  }
0x73: {  	_ =	shalt  }
0x74: {  	_ =	shalt  }
0x75: {  	_ =	shalt  }
0x76: {  	_ =	shalt  }
0x77: {  	_ =	shalt  }
0x78: {  	_ =	shalt  }
0x79: {  	_ =	shalt  }
0x7a: {  	_ =	shalt  }
0x7b: {  	_ =	shalt  }
0x7c: {  	_ =	shalt  }
0x7d: {  	_ =	shalt  }
0x7e: {  	_ =	shalt  }
0x7f: {  	_ =	shalt  }
0x80: {  	_ =	shalt  }
0x81: {  	_ =	shalt  }
0x82: {  	_ =	shalt  }
0x83: {  	_ =	shalt  }
0x84: {  	_ =	shalt  }
0x85: {  	_ =	shalt  }
0x86: {  	_ =	shalt  }
0x87: {  	_ =	shalt  }
.Lfunc_end0:
.L_simem_size_0:
called_computation_lowered:
.L_overlay_start_0:
0x88: {  	s2 =	sld [smem:$0x3FD9]  }
0x89: {  	s3 =	sld [smem:$0x3FFE];
	_ =	sdelay $0x1  }
0x8a: {  	s1 =	srdreg.scid  }
0x8b: {  	s0 =	sand.u32 $0x1, s1  }
0x8c: {  	s17 =	sshll.u32 s0, $0xA;
	s2 =	sadd.s32 s3, s2  }
0x8d: {  	s2 =	sadd.s32 s2, s17  }
0x8e: {  	[smem:$0x3FC5] =	sst s2  }
0x8f: {  	_ = 	snop  }
0x90: {  	s2 =	sld [smem:$0x3FC9]  }
0x91: {  	s18 =	sld [smem:$0x3FD0];
	(tm) =	ssettm $0x1  }
0x92: {  	s4 =	sld [smem:$0x3FFB];
	_ =	sdelay $0x3  }
0x93: {  	_ =	strace s4  }
0x94: {  	s4 =	sld [smem:$0x3FFC];
	_ =	sdelay $0x3  }
0x95: {  	_ =	strace s4  }
0x96: {  	s4 =	sld [smem:$0x3FFD];
	_ =	sdelay $0x3  }
0x97: {  	_ =	strace s4  }
0x98: {  	_ =	strace $0x8FFFFFFF  }
0x99: {  	s19 =	sld [smem:$0x3FDB];
	_ =	sdelay $0x1  }
0x9a: {  	s5 =	simm.s32 $_scs_section_size  }
0x9b: {  	s6 =	simm.s32 $_size__tile_overlayer_lowered;
	s7 =	simm.s32 $_tile_overlayer_lowered  }
0x9c: {  	s22 =	simm.s32 $0x1BFF;
	s21 =	sshll.u32 s7, $0x1;
	s4 =	sadd.s32 s5, s19  }
0x9d: {  	s8 =	simm.s32 $0x0;
	s20 =	sshll.u32 s6, $0x1;
	s6 =	sadd.s32 s21, s4  }
0x9e: {  	[timem:s8], [sflag:s22] =	dma.local [hbm:s6], s20  }
0x9f: {  	_ =	swait.ge [sflag:s22], s20  }
0xa0: {  	s5 =	ssub.s32 $0x0, s20;
	[sflag:s22] =	ssyncset.done $0x0  }
0xa1: {  	[sflag:s22] =	ssyncadd.s32 s5;
	_ =	sdelay $0x1  }
0xa2: {  	s23 =	simm.s32 $0x1B8B  }
0xa3: {  	_ =	swait.ge [sflag:s23], $0x1  }
0xa4: {  	[sflag:s23] =	ssyncset.done $0x0  }
0xa5: {  	s25 =	simm.s32 $0x1B8E;
	s24 =	sld [smem:$0x3FFE];
	[sflag:s23] =	ssyncadd.s32 $0xFFFFFFFF  }
0xa6: {  	s26 =	simm.s32 $execute0_lowered;
	[smem:$0x3FD2] =	sst s25  }
0xa7: {  	s6 =	sshll.u32 s26, $0x1;
	_ =	strace $0x80000046;
	[dreg:$0x1] =	wrdreg $0xFFFFFFFF  }
0xa8: {  	s28 =	simm.s32 $_size_execute0_lowered;
	s4 =	sadd.s32 s4, s6;
	[dreg:$0x0] =	wrdreg $0x0  }
0xa9: {  	s6 =	sshll.u32 s28, $0x1;
	[dreg:$0x2] =	wrdreg s4  }
0xaa: {  	[dreg:$0x3] =	wrdreg s6  }
0xab: {  	[dreg:$0x4] =	wrdreg $0xC0  }
0xac: {  	_ =	task [dreg:s8], $0x5FFFF  }
0xad: {  	[dreg:$0x1] =	wrdreg $0xFFFFFFFF  }
0xae: {  	[dreg:$0x0] =	wrdreg $0x60  }
0xaf: {  	[dreg:$0x2] =	wrdreg s2  }
0xb0: {  	[dreg:$0x3] =	wrdreg s18  }
0xb1: {  	[dreg:$0x4] =	wrdreg s24  }
0xb2: {  	[dreg:$0x5] =	wrdreg $0x82000  }
0xb3: {  	[dreg:$0x6] =	wrdreg $0x9  }
0xb4: {  	_ =	task.clear_ibuf [dreg:s8], $0x7FFFF;
	_ =	strace $0x90000046  }
0xb5: {  	s29 =	simm.s32 $0x9;
	_ =	strace $0x8000004B  }
0xb6: {  	_ =	swait.ge [sflag:s29], $0x1  }
0xb7: {  	[sflag:s29] =	ssyncadd.s32 $0xFFFFFFFF  }
0xb8: {  	_ =	strace $0x9000004B  }
0xb9: {  	_ =	sfence  }
0xba: {  	s30 =	sld [smem:$0x0];
	_ =	sdelay $0x2  }
0xbb: {  	s31 =	sshll.u32 s1, $0xD;
	s1 =	sshrl.u32 s1, $0x2  }
0xbc: {  	s3 =	sand.u32 $0x4000, s31;
	s1 =	sadd.s32 s1, s30  }
0xbd: {  	s0 =	sor.u32 s3, s0;
	s1 =	sshll.u32 s1, $0x11  }
0xbe: {  	s0 =	sor.u32 s1, s0  }
0xbf: {  	s0 =	sadd.s32 $0x8F2B, s0  }
0xc0: {  	[sflag:s0] =	ssyncadd.remote.s32 $0x1  }
0xc1: {  	_ =	sfence.sel $0xFFFF  }
0xc2: {  	[dreg:$0x0] =	wrdreg $0xFFFFFFFF;
	(pc) =	sbr.abs _section_cstart, $3  }
0xc3: {  	[dreg:$0x1] =	wrdreg $0xFFFFFFFF  }
0xc4: {  	_ =	task.clear_ibuf [dreg:s8], $0x2FFFF;
	_ =	strace $0x9FFFFFFF  }
0xc5: {  	(tm) =	ssettm $0x7FFFFFFF  }
tec
execute0_lowered:
.L_overlay_start_1:
0x0: {  	(tag) =	ssettag $0x1  }
0x1: {  	s0 =	rddreg [dreg:$0x0]  }
0x2: {  	s13 =	rddreg [dreg:$0x1]  }
0x3: {  	s5 =	rddreg [dreg:$0x2]  }
0x4: {  	s3 =	rddreg [dreg:$0x3]  }
0x5: {  	s1 =	srdreg.scid;
	s2 =	rddreg [dreg:$0x4]  }
0x6: {  	s4 =	simm.s32 $0x0;
	s16 =	simm.s32 $0x3;
	s17 =	simm.s32 $0x80  }
0x7: {  	s18 =	simm.s32 $0x100;
	s19 =	simm.s32 $0x4200;
	s15 =	sand.u32 $0x1, s1  }
0x8: {  	s20 =	simm.s32 $0x1;
	s1 =	stileid.u32;
	s6 =	smul.u32 $0x140000, s15  }
0x9: {  	s21 =	simm.s32 $0x2;
	s22 =	simm.s32 $0x180;
	s7 =	smul.u32 $0x14000, s1  }
0xa: {  	s23 =	simm.s32 $0x0;
	[smem:$0x7FF] =	sst s4;
	s29 =	smul.u32 $0x50000, s1  }
0xb: {  	s8 =	ssub.s32 $0x2, s15;
	s9 =	smul.u32 $0xEC0, s1;
	_ =	strace $0x80000047  }
0xc: {  	s14 =	smul.u32 $0x4E0, s1;
	p0 =	seq.s32 s15, $0x0;
	s30 =	sshrl.u32 s8, $0x1  }
0xd: {  	s15 =	simm.s32 $0x200;
	s6 =	sadd.s32 s7, s6;
	s11 =	ssub.s32 s8, s30  }
.Ltmp0:
0xe: {  	s14 =	sadd.s32 s14, s13;
	s6 =	sshrl.u32 s6, $0x3;
	(pc) =	sbr.rel .LBB2_1-.Ltmp0, $4  }
0xf: {  	s31 =	sshrl.u32 s29, $0x2;
	s14 =	sadd.s32 $0xEC00, s14;
	s10 =	sadd.s32 s6, s5  }
0x10: {  	s5 =	sadd.s32 s13, s9;
	s6 =	sadd.s32 s31, s3;
	s9 =	smax.u32 s11, $0x1  }
0x11: {  	s7 =	sadd.s32 $0x20, s5;
	s8 =	sadd.s32 $0x800, s10;
	s10 =	sadd.s32 $0x4000, s6  }
0x12: {  	v0 =	vimm.f32 $0.0e+00;
	s11 =	sadd.s32 $0x8000, s6;
	s12 =	sadd.s32 $0xC000, s6;
	s13 =	sadd.s32 $0x10000, s6  }
.LBB2_9:
0x13: {  	s24 =	sadd.s32 s24, s14;
	[sflag:s16] =	ssyncadd.s32 $0xFFFFC000  }
0x14: {  	[tilespmem:s4], [sflag:$0x3] =	stream.linear.gather [hbm4b:s24+s4], $0x100, $0x200038;
	[tilespmem:$0x1C200] =	vst v63  }
0x15: {  	_ =	swait.ge [sflag:s16], $0x100  }
0x16: {  	[sflag:s16] =	ssyncset.done $0x0  }
0x17: {  	[sflag:s16] =	ssyncadd.s32 $0xFFFFFF00  }
0x18: {  	[tilespmem:s15], [sflag:$0x1] =	stream.indirect.gather [hbm4b:s0+s17], $0x80, s4, s17, $0x2000b8;
	[tilespmem:$0x1C200] =	vst v63  }
0x19: {  	_ =	swait.ge [sflag:s20], $0x4000  }
0x1a: {  	[sflag:s20] =	ssyncset.done $0x0  }
0x1b: {  	[sflag:s20] =	ssyncadd.s32 $0xFFFFC000  }
0x1c: {  	[spmem:s3] =	stream.indirect.scatter.add.f32 [tilespmem:s15], [sflag:$0x3], $0x80, s17, s17, $0x2000b8;
	[tilespmem:$0x1C200] =	vst v63  }
0x1d: {  	_ =	swait.ge [sflag:s16], $0x4000  }
0x1e: {  	[sflag:s16] =	ssyncset.done $0x0  }
0x1f: {  	[sflag:s16] =	ssyncadd.s32 $0xFFFFC000  }
.LBB2_10:
0x20: {  	[bflag:$0x0] =	sbarrier.arrive $0xFFFF;
	s24 =	sshll.u32 s1, $0x6  }
0x21: {  	s25 =	sshrl.u32 s6, $0x3;
	s23 =	sadd.s32 $0x1, s23;
	_ =	strace $0x90000049  }
0x22: {  	s24 =	sor.u32 $0x1C03, s24;
	p1 =	sne.s32 s23, s9;
	_ =	strace $0x8000004A  }
0x23: {  	[hbm:s8], [sflag:s24] =	dma.local [spmem:s25], $0x2800  }
.Ltmp1:
0x24: {  	_ = 	snop;
	(pc) =	sbr.rel @!p1 .LBB2_11-.Ltmp1, $4  }
0x25: {  	_ =	swait.ge [sflag:s16], $0x2800  }
0x26: {  	[sflag:s16] =	ssyncset.done $0x0  }
0x27: {  	[sflag:s16] =	ssyncadd.s32 $0xFFFFD800  }
0x28: {  	_ =	strace $0x9000004A  }
.LBB2_1:
0x29: {  	_ =	strace $0x80000048;
	s24 =	simm.s32 $0x0;
	s25 =	simm.s32 $0x200  }
.LBB2_2:
0x2a: {  	p1 =	seq.s32 s25, $0xFE00;
	[tilespmem:s24+$0x270] =	vst v0  }
0x2b: {  	[tilespmem:s24+$0x200] =	vst v0  }
0x2c: {  	[tilespmem:s24+$0x210] =	vst v0  }
.Ltmp2:
0x2d: {  	[tilespmem:s24+$0x220] =	vst v0;
	(pc) =	sbr.rel @!p1 .LBB2_2-.Ltmp2, $4  }
0x2e: {  	[tilespmem:s24+$0x230] =	vst v0  }
0x2f: {  	[tilespmem:s24+$0x240] =	vst v0  }
0x30: {  	[tilespmem:s24+$0x250] =	vst v0  }
0x31: {  	[tilespmem:s24+$0x260] =	vst v0;
	s24 =	sshra.s32 s25, $0x2;
	s25 =	sadd.s32 $0x200, s25  }
0x32: {  	[tilespmem:s24+$0x270] =	vst v0  }
0x33: {  	[tilespmem:s24+$0x200] =	vst v0  }
0x34: {  	[tilespmem:s24+$0x210] =	vst v0  }
0x35: {  	[tilespmem:s24+$0x220] =	vst v0  }
0x36: {  	[tilespmem:s24+$0x230] =	vst v0  }
0x37: {  	[tilespmem:s24+$0x240] =	vst v0  }
0x38: {  	[tilespmem:s24+$0x250] =	vst v0  }
0x39: {  	[tilespmem:s24+$0x260] =	vst v0  }
0x3a: {  	[spmem:s6] =	stream.linear.scatter [tilespmem:s15], [sflag:$0x3], $0x4000, $0x200038;
	[tilespmem:$0x1C200] =	vst v63  }
0x3b: {  	_ =	swait.ge [sflag:s16], $0x4000  }
0x3c: {  	[sflag:s16] =	ssyncset.done $0x0  }
0x3d: {  	[sflag:s16] =	ssyncadd.s32 $0xFFFFC000  }
0x3e: {  	[spmem:s10] =	stream.linear.scatter [tilespmem:s15], [sflag:$0x3], $0x4000, $0x200038;
	[tilespmem:$0x1C200] =	vst v63  }
0x3f: {  	_ =	swait.ge [sflag:s16], $0x4000  }
0x40: {  	[sflag:s16] =	ssyncset.done $0x0  }
0x41: {  	[sflag:s16] =	ssyncadd.s32 $0xFFFFC000  }
0x42: {  	[spmem:s11] =	stream.linear.scatter [tilespmem:s15], [sflag:$0x3], $0x4000, $0x200038;
	[tilespmem:$0x1C200] =	vst v63  }
0x43: {  	_ =	swait.ge [sflag:s16], $0x4000  }
0x44: {  	[sflag:s16] =	ssyncset.done $0x0  }
0x45: {  	[sflag:s16] =	ssyncadd.s32 $0xFFFFC000  }
0x46: {  	[spmem:s12] =	stream.linear.scatter [tilespmem:s15], [sflag:$0x3], $0x4000, $0x200038;
	[tilespmem:$0x1C200] =	vst v63  }
0x47: {  	_ =	swait.ge [sflag:s16], $0x4000  }
0x48: {  	[sflag:s16] =	ssyncset.done $0x0  }
0x49: {  	[sflag:s16] =	ssyncadd.s32 $0xFFFFC000  }
0x4a: {  	[spmem:s13] =	stream.linear.scatter [tilespmem:s15], [sflag:$0x3], $0x4000, $0x200038;
	[tilespmem:$0x1C200] =	vst v63  }
0x4b: {  	_ =	swait.ge [sflag:s16], $0x4000  }
.Ltmp3:
0x4c: {  	[sflag:s16] =	ssyncset.done $0x0;
	(pc) =	sbr.rel @!p0 .LBB2_7-.Ltmp3, $4  }
0x4d: {  	[sflag:s16] =	ssyncadd.s32 $0xFFFFC000  }
0x4e: {  	[bflag:$0x0] =	sbarrier.arrive $0xFFFF  }
0x4f: {  	_ =	strace $0x90000048  }
0x50: {  	_ =	strace $0x80000049  }
0x51: {  	[tilespmem:s4], [sflag:$0x3] =	stream.linear.gather [hbm4b:s5+s4], $0x100, $0x200038;
	[tilespmem:$0x1C200] =	vst v63  }
0x52: {  	_ =	swait.ge [sflag:s16], $0x100  }
0x53: {  	[sflag:s16] =	ssyncset.done $0x0  }
0x54: {  	[sflag:s16] =	ssyncadd.s32 $0xFFFFFF00  }
0x55: {  	[tilespmem:s15], [sflag:$0x1] =	stream.indirect.gather [hbm4b:s0+s17], $0x80, s4, s17, $0x2000b8;
	[tilespmem:$0x1C200] =	vst v63  }
0x56: {  	_ = 	snop  }
0x57: {  	[tilespmem:s18], [sflag:$0x3] =	stream.linear.gather [hbm4b:s7+s4], $0x100, $0x200038;
	[tilespmem:$0x1C200] =	vst v63  }
0x58: {  	_ =	swait.ge [sflag:s16], $0x100  }
0x59: {  	[sflag:s16] =	ssyncset.done $0x0  }
0x5a: {  	[sflag:s16] =	ssyncadd.s32 $0xFFFFFF00  }
0x5b: {  	[tilespmem:s19], [sflag:$0x2] =	stream.indirect.gather [hbm4b:s0+s17], $0x80, s18, s17, $0x2000b8;
	[tilespmem:$0x1C200] =	vst v63  }
0x5c: {  	_ =	swait.ge [sflag:s20], $0x4000  }
0x5d: {  	[sflag:s20] =	ssyncset.done $0x0  }
0x5e: {  	[sflag:s20] =	ssyncadd.s32 $0xFFFFC000  }
0x5f: {  	[spmem:s3] =	stream.indirect.scatter.add.f32 [tilespmem:s15], [sflag:$0x3], $0x80, s17, s17, $0x2000b8;
	[tilespmem:$0x1C200] =	vst v63  }
0x60: {  	_ =	swait.ge [sflag:s16], $0x4000  }
0x61: {  	s24 =	sadd.s32 $0xFFFFF140, s5;
	[sflag:s16] =	ssyncset.done $0x0  }
0x62: {  	s25 =	sadd.s32 $0xF00, s24;
	[sflag:s16] =	ssyncadd.s32 $0xFFFFC000  }
0x63: {  	[tilespmem:s4], [sflag:$0x3] =	stream.linear.gather [hbm4b:s25+s4], $0x100, $0x200038;
	[tilespmem:$0x1C200] =	vst v63  }
0x64: {  	_ =	swait.ge [sflag:s16], $0x100  }
0x65: {  	[sflag:s16] =	ssyncset.done $0x0  }
0x66: {  	[sflag:s16] =	ssyncadd.s32 $0xFFFFFF00  }
0x67: {  	[tilespmem:s15], [sflag:$0x1] =	stream.indirect.gather [hbm4b:s0+s17], $0x80, s4, s17, $0x2000b8;
	[tilespmem:$0x1C200] =	vst v63  }
0x68: {  	_ =	swait.ge [sflag:s21], $0x4000  }
0x69: {  	[sflag:s21] =	ssyncset.done $0x0  }
0x6a: {  	[sflag:s21] =	ssyncadd.s32 $0xFFFFC000  }
0x6b: {  	[spmem:s3] =	stream.indirect.scatter.add.f32 [tilespmem:s19], [sflag:$0x3], $0x80, s22, s17, $0x2000b8;
	[tilespmem:$0x1C200] =	vst v63  }
0x6c: {  	_ =	swait.ge [sflag:s16], $0x4000  }
0x6d: {  	[sflag:s16] =	ssyncset.done $0x0  }
0x6e: {  	s24 =	sadd.s32 $0xF20, s24;
	[sflag:s16] =	ssyncadd.s32 $0xFFFFC000  }
0x6f: {  	[tilespmem:s18], [sflag:$0x3] =	stream.linear.gather [hbm4b:s24+s4], $0x100, $0x200038;
	[tilespmem:$0x1C200] =	vst v63  }
0x70: {  	_ =	swait.ge [sflag:s16], $0x100  }
0x71: {  	[sflag:s16] =	ssyncset.done $0x0  }
0x72: {  	s24 =	simm.s32 $0xFFFFF180;
	[sflag:s16] =	ssyncadd.s32 $0xFFFFFF00  }
.LBB2_5:
0x73: {  	[tilespmem:s19], [sflag:$0x2] =	stream.indirect.gather [hbm4b:s0+s17], $0x80, s18, s17, $0x2000b8;
	[tilespmem:$0x1C200] =	vst v63  }
0x74: {  	s25 =	smov.u32 s24  }
0x75: {  	p1 =	sne.s32 s24, $0xFFFFFFC0;
	s24 =	sadd.s32 $0x40, s24;
	_ =	swait.ge [sflag:s20], $0x4000  }
0x76: {  	[sflag:s20] =	ssyncset.done $0x0  }
0x77: {  	[sflag:s20] =	ssyncadd.s32 $0xFFFFC000  }
0x78: {  	[spmem:s3] =	stream.indirect.scatter.add.f32 [tilespmem:s15], [sflag:$0x3], $0x80, s17, s17, $0x2000b8;
	[tilespmem:$0x1C200] =	vst v63  }
0x79: {  	_ =	swait.ge [sflag:s16], $0x4000  }
0x7a: {  	s25 =	sadd.s32 s25, s5;
	[sflag:s16] =	ssyncset.done $0x0  }
0x7b: {  	s26 =	sadd.s32 $0xF00, s25;
	[sflag:s16] =	ssyncadd.s32 $0xFFFFC000  }
0x7c: {  	[tilespmem:s4], [sflag:$0x3] =	stream.linear.gather [hbm4b:s26+s4], $0x100, $0x200038;
	[tilespmem:$0x1C200] =	vst v63  }
0x7d: {  	_ =	swait.ge [sflag:s16], $0x100  }
0x7e: {  	[sflag:s16] =	ssyncset.done $0x0  }
0x7f: {  	[sflag:s16] =	ssyncadd.s32 $0xFFFFFF00  }
0x80: {  	[tilespmem:s15], [sflag:$0x1] =	stream.indirect.gather [hbm4b:s0+s17], $0x80, s4, s17, $0x2000b8;
	[tilespmem:$0x1C200] =	vst v63  }
0x81: {  	_ =	swait.ge [sflag:s21], $0x4000  }
0x82: {  	[sflag:s21] =	ssyncset.done $0x0  }
0x83: {  	[sflag:s21] =	ssyncadd.s32 $0xFFFFC000  }
0x84: {  	[spmem:s3] =	stream.indirect.scatter.add.f32 [tilespmem:s19], [sflag:$0x3], $0x80, s22, s17, $0x2000b8;
	[tilespmem:$0x1C200] =	vst v63  }
0x85: {  	_ =	swait.ge [sflag:s16], $0x4000  }
0x86: {  	[sflag:s16] =	ssyncset.done $0x0  }
.Ltmp4:
0x87: {  	s25 =	sadd.s32 $0xF20, s25;
	[sflag:s16] =	ssyncadd.s32 $0xFFFFC000;
	(pc) =	sbr.rel @p1 .LBB2_5-.Ltmp4, $4  }
0x88: {  	[tilespmem:s18], [sflag:$0x3] =	stream.linear.gather [hbm4b:s25+s4], $0x100, $0x200038;
	[tilespmem:$0x1C200] =	vst v63  }
0x89: {  	_ =	swait.ge [sflag:s16], $0x100  }
0x8a: {  	[sflag:s16] =	ssyncset.done $0x0  }
0x8b: {  	[sflag:s16] =	ssyncadd.s32 $0xFFFFFF00  }
0x8c: {  	[tilespmem:s19], [sflag:$0x2] =	stream.indirect.gather [hbm4b:s0+s17], $0x80, s18, s17, $0x2000b8;
	[tilespmem:$0x1C200] =	vst v63  }
0x8d: {  	_ =	swait.ge [sflag:s20], $0x4000  }
.Ltmp5:
0x8e: {  	[sflag:s20] =	ssyncset.done $0x0;
	(pc) =	sbr.rel .LBB2_10-.Ltmp5, $4  }
0x8f: {  	[sflag:s20] =	ssyncadd.s32 $0xFFFFC000  }
0x90: {  	_ =	swait.ge [sflag:s21], $0x4000  }
0x91: {  	[sflag:s21] =	ssyncset.done $0x0  }
0x92: {  	[sflag:s21] =	ssyncadd.s32 $0xFFFFC000  }
.LBB2_7:
0x93: {  	s24 =	sadd.s32 $0x0, s14  }
0x94: {  	[tilespmem:s4], [sflag:$0x3] =	stream.linear.gather [hbm4b:s24+s4], $0x100, $0x200038;
	[tilespmem:$0x1C200] =	vst v63  }
0x95: {  	_ =	swait.ge [sflag:s16], $0x100  }
0x96: {  	[sflag:s16] =	ssyncset.done $0x0  }
0x97: {  	[sflag:s16] =	ssyncadd.s32 $0xFFFFFF00  }
0x98: {  	[tilespmem:s15], [sflag:$0x1] =	stream.indirect.gather [hbm4b:s0+s17], $0x80, s4, s17, $0x2000b8;
	[tilespmem:$0x1C200] =	vst v63  }
0x99: {  	_ =	swait.ge [sflag:s20], $0x4000  }
0x9a: {  	[sflag:s20] =	ssyncset.done $0x0  }
0x9b: {  	[sflag:s20] =	ssyncadd.s32 $0xFFFFC000  }
0x9c: {  	[spmem:s3] =	stream.indirect.scatter.add.f32 [tilespmem:s15], [sflag:$0x3], $0x80, s17, s17, $0x2000b8;
	[tilespmem:$0x1C200] =	vst v63  }
0x9d: {  	_ =	swait.ge [sflag:s16], $0x4000  }
0x9e: {  	s25 =	simm.s32 $0x40;
	s24 =	simm.s32 $0x20;
	[sflag:s16] =	ssyncset.done $0x0  }
.LBB2_8:
0x9f: {  	s26 =	sadd.s32 s24, s14  }
0xa0: {  	[sflag:s16] =	ssyncadd.s32 $0xFFFFC000;
	s24 =	smov.u32 s25;
	s28 =	sadd.s32 $0x20, s25  }
0xa1: {  	[tilespmem:s4], [sflag:$0x3] =	stream.linear.gather [hbm4b:s26+s4], $0x100, $0x200038;
	[tilespmem:$0x1C200] =	vst v63  }
0xa2: {  	p1 =	sne.s32 s25, $0x4C0;
	_ =	swait.ge [sflag:s16], $0x100  }
0xa3: {  	[sflag:s16] =	ssyncset.done $0x0  }
0xa4: {  	[sflag:s16] =	ssyncadd.s32 $0xFFFFFF00  }
0xa5: {  	[tilespmem:s15], [sflag:$0x1] =	stream.indirect.gather [hbm4b:s0+s17], $0x80, s4, s17, $0x2000b8;
	[tilespmem:$0x1C200] =	vst v63  }
0xa6: {  	_ =	swait.ge [sflag:s20], $0x4000  }
.Ltmp6:
0xa7: {  	[sflag:s20] =	ssyncset.done $0x0;
	(pc) =	sbr.rel @p1 .LBB2_8-.Ltmp6, $4  }
0xa8: {  	[sflag:s20] =	ssyncadd.s32 $0xFFFFC000  }
0xa9: {  	[spmem:s3] =	stream.indirect.scatter.add.f32 [tilespmem:s15], [sflag:$0x3], $0x80, s17, s17, $0x2000b8;
	[tilespmem:$0x1C200] =	vst v63  }
0xaa: {  	_ =	swait.ge [sflag:s16], $0x4000  }
0xab: {  	s25 =	smov.u32 s28;
	[sflag:s16] =	ssyncset.done $0x0  }
.Ltmp7:
0xac: {  	_ = 	snop;
	(pc) =	sbr.rel .LBB2_9-.Ltmp7, $1  }
0xad: {  	_ =	sdelay $0x3  }
.LBB2_11:
0xae: {  	_ =	sfence.sel $0x180000  }
0xaf: {  	[bflag:$0x0] =	sbarrier.arrive $0xFFFF  }
0xb0: {  	p0 =	sne.s32 s1, $0x0;
	_ =	strace $0x90000047  }
0xb1: {  	s0 =	sadd.s32 @!p0 $0x100000, s2;
	[bflag:$0x2] =	sbarrier.arrive $0xFFFF  }
0xb2: {  	[sflag:s0] =	ssyncadd.tile.s32 @!p0 $0x1;
	_ =	shalt  }
.Lfunc_end2:
_tile_overlayer_lowered:
.L_overlay_start_2:
0xb3: {  	(tag) =	ssettag $0x2  }
0xb4: {  	s0 =	rddreg [dreg:$0x0];
	s2 =	stileid.u32  }
0xb5: {  	s1 =	rddreg [dreg:$0x1];
	p0 =	sne.s32 s2, $0x0  }
0xb6: {  	s3 =	rddreg [dreg:$0x2];
	[bflag:$0x3] =	sbarrier.arrive $0xFFFF;
	s2 =	simm.s32 @!p0 $0x1C03  }
0xb7: {  	[timem:s3], [sflag:s2] =	dma.local @!p0 [hbm:s0], s1  }
0xb8: {  	s0 =	simm.s32 @!p0 $0x3  }
0xb9: {  	_ =	swait.ge @!p0 [sflag:s0], s1  }
0xba: {  	s1 =	ssub.s32 @!p0 $0x0, s1;
	[sflag:s0] =	ssyncset.done @!p0 $0x0  }
0xbb: {  	[sflag:s0] =	ssyncadd.s32 @!p0 s1  }
0xbc: {  	[bflag:$0x3] =	sbarrier.arrive $0xFFFF  }
0xbd: {  	_ =	shalt  }

</sc_bundles>
